<compile_context>
chip_gen: v7x
topology: tpu7x:2x2x1
jax: 0.10.2.dev20260603
libtpu: 0.0.44.dev20260713+nightly
codegen_flags: <defaults>
</compile_context>

<pallas_src>
import functools

import jax
import jax.numpy as jnp
from jax import lax
from jax.experimental import pallas as pl
from jax.experimental.pallas import tpu as pltpu
from jax.experimental.pallas import tpu_sc as plsc

_NBUF = 2
_K = 56


def _make_gather(V, D, B):
    info = plsc.get_sparse_core_info()
    NC, NS = info.num_cores, info.num_subcores
    NW = NC * NS
    assert B % NW == 0
    b_per_w = B // NW
    assert b_per_w % 8 == 0
    K = _K
    n_chunks = (b_per_w // K) // _NBUF * _NBUF
    n_rounds = n_chunks // _NBUF
    tail = b_per_w - n_chunks * K
    assert tail % 8 == 0 and tail <= K and n_rounds >= 3

    mesh = plsc.VectorSubcoreMesh(core_axis_name="c", subcore_axis_name="s")

    @functools.partial(
        pl.kernel,
        mesh=mesh,
        out_type=jax.ShapeDtypeStruct((B, D), jnp.float32),
        scratch_types=[
            pltpu.VMEM((b_per_w,), jnp.int32),
            pltpu.VMEM_SHARED((NS * _NBUF * K, D), jnp.float32),
        ]
        + [pltpu.VMEM((K, D), jnp.float32) for _ in range(_NBUF)]
        + [pltpu.SemaphoreType.DMA for _ in range(2 * _NBUF)],
    )
    def gather_kernel(table_hbm, idx_hbm, out_hbm, idx_v, sp, *rest):
        bufs = rest[:_NBUF]
        gsems = rest[_NBUF : 2 * _NBUF]
        hsems = rest[2 * _NBUF :]
        sid = lax.axis_index("s")
        wid = sid * NC + lax.axis_index("c")
        base = wid * b_per_w
        pltpu.sync_copy(idx_hbm.at[pl.ds(base, b_per_w)], idx_v)

        def slot(j, n=K):
            return sp.at[pl.ds((sid * _NBUF + j) * K, n)]

        def start_gather(c, j):
            pltpu.async_copy(
                table_hbm.at[idx_v.at[pl.ds(c * K, K)]], bufs[j], gsems[j]
            )

        def wait_gather(c, j):
            pltpu.make_async_copy(
                table_hbm.at[idx_v.at[pl.ds(c * K, K)]], bufs[j], gsems[j]
            ).wait()

        def start_hbm(c, j):
            pltpu.async_copy(
                slot(j), out_hbm.at[pl.ds(base + c * K, K)], hsems[j]
            )

        def wait_hbm(c, j):
            pltpu.make_async_copy(
                slot(j), out_hbm.at[pl.ds(base + c * K, K)], hsems[j]
            ).wait()

        def step(c, j, first, issue_next):
            wait_gather(c, j)
            if not first:
                wait_hbm(c - _NBUF, j)
            pltpu.sync_copy(bufs[j], slot(j))
            start_hbm(c, j)
            if issue_next:
                start_gather(c + _NBUF, j)

        for j in range(_NBUF):
            start_gather(j, j)
        for j in range(_NBUF):
            step(j, j, True, True)

        def body(i, carry):
            c0 = i * _NBUF
            for j in range(_NBUF):
                step(c0 + j, j, False, True)
            return carry

        lax.fori_loop(1, n_rounds - 1, body, 0)

        cl = (n_rounds - 1) * _NBUF
        for j in range(_NBUF):
            step(cl + j, j, False, False)
        if tail:
            toff = n_chunks * K
            tb = bufs[0].at[pl.ds(0, tail)]
            pltpu.async_copy(
                table_hbm.at[idx_v.at[pl.ds(toff, tail)]], tb, gsems[0]
            ).wait()
            wait_hbm(cl, 0)
            pltpu.sync_copy(tb, slot(0, tail))
            pltpu.async_copy(
                slot(0, tail), out_hbm.at[pl.ds(base + toff, tail)], hsems[0]
            ).wait()
            start = 1
        else:
            start = 0
        for j in range(start, _NBUF):
            wait_hbm(cl + j, j)

    return gather_kernel


def kernel(idx, table):
    V, D = table.shape
    orig_shape = idx.shape
    idx_flat = idx.reshape(-1).astype(jnp.int32)
    B = idx_flat.shape[0]
    out = _make_gather(V, D, B)(table, idx_flat)
    return out.reshape(*orig_shape, D)

# --- scband reference (transcript-rebuilt; emitter-appended) ---
"""Pipeline reference for scband-position-embeddings-11106785427691 (READ-ONLY COPY).

The authoritative reference and input builder live on the scoring server;
editing this copy changes nothing except your own understanding.
"""

import jax, jax.numpy as jnp
import numpy as np

EMBED_DIM = 512
NUM_PATCHES = 1024

def setup_inputs(seed: int = 0) -> dict:
    key = jax.random.key(seed)
    k_idx, k_tab = jax.random.split(key)
    idx = jax.random.randint(k_idx, (256, 1025), 0, 1025, dtype=jnp.int64 if jax.config.read('jax_enable_x64') else jnp.int32)
    table = jax.random.normal(k_tab, (NUM_PATCHES + 1, EMBED_DIM), dtype=jnp.float32)
    return {"idx": idx, "table": table}

def reference(idx, table):
    # nn.Embedding lookup: gather rows of the positional encoding table
    pos = jnp.take(table, idx, axis=0)
    return pos

if __name__ == "__main__":
    import jax
    _d = setup_inputs()
    print(jax.jit(kernel)(*tuple(_d.values())))

</pallas_src>

<mosaic_0001>
#map = affine_map<(d0, d1) -> (0, 0)>
#map1 = affine_map<(d0, d1) -> (0)>
module attributes {stable_mosaic.version = 14 : i64} {
  func.func @gather_kernel(%arg0: i32, %arg1: i32, %arg2: memref<1025x512xf32, #tpu.memory_space<hbm>>, %arg3: memref<262400xi32, #tpu.memory_space<hbm>>, %arg4: memref<262400x512xf32, #tpu.memory_space<hbm>>, %arg5: memref<8200xi32, #tpu.memory_space<vmem>>, %arg6: memref<1792x512xf32, #tpu.memory_space<vmem_shared>>, %arg7: memref<56x512xf32, #tpu.memory_space<vmem>>, %arg8: memref<56x512xf32, #tpu.memory_space<vmem>>, %arg9: memref<!tpu.dma_semaphore, #tpu.memory_space<semaphore_mem>>, %arg10: memref<!tpu.dma_semaphore, #tpu.memory_space<semaphore_mem>>, %arg11: memref<!tpu.dma_semaphore, #tpu.memory_space<semaphore_mem>>, %arg12: memref<!tpu.dma_semaphore, #tpu.memory_space<semaphore_mem>>) attributes {dimension_semantics = [#tpu.dimension_semantics<core_parallel>, #tpu.dimension_semantics<subcore_parallel>], iteration_bounds = array<i64: 2, 16>, scalar_prefetch = 0 : i64, scratch_operands = 8 : i64, tpu.core_type = #tpu.core_type<sc_vector_subcore>, window_params = [{transform_indices = #map}, {transform_indices = #map1}, {transform_indices = #map}]} {
    %mul3A = arith.constant 2 : i32
    %mul3A_0 = arith.muli %arg1, %mul3A : i32
    %add3A = arith.addi %mul3A_0, %arg0 : i32
    %mul3A_1 = arith.constant 8200 : i32
    %mul3A_2 = arith.muli %add3A, %mul3A_1 : i32
    "tpu.region"() ({
      %run_scoped3A = tpu.sem_alloc : memref<!tpu.dma_semaphore, #tpu.memory_space<semaphore_mem>>
      %dma_start3A_204 = tpu.memref_slice %arg3[%mul3A_2] : memref<262400xi32, #tpu.memory_space<hbm>> -> memref<8200xi32, #tpu.memory_space<hbm>>
      %dma_start3A_205 = tpu.memref_slice %arg3[%mul3A_2] : memref<262400xi32, #tpu.memory_space<hbm>> -> memref<8200xi32, #tpu.memory_space<hbm>>
      tpu.enqueue_dma source(%dma_start3A_205 : memref<8200xi32, #tpu.memory_space<hbm>>) target(%arg5 : memref<8200xi32, #tpu.memory_space<vmem>>) target_semaphore(%run_scoped3A : memref<!tpu.dma_semaphore, #tpu.memory_space<semaphore_mem>>)
      %dma_wait3A_206 = tpu.memref_slice %arg3[%mul3A_2] : memref<262400xi32, #tpu.memory_space<hbm>> -> memref<8200xi32, #tpu.memory_space<hbm>>
      %dma_wait3A_207 = tpu.memref_slice %arg3[%mul3A_2] : memref<262400xi32, #tpu.memory_space<hbm>> -> memref<8200xi32, #tpu.memory_space<hbm>>
      tpu.wait_dma2 semaphore(%run_scoped3A : memref<!tpu.dma_semaphore, #tpu.memory_space<semaphore_mem>>) src(%dma_wait3A_207 : memref<8200xi32, #tpu.memory_space<hbm>>) dst(%arg5 : memref<8200xi32, #tpu.memory_space<vmem>>)
      tpu.yield
    }) : () -> ()
    %dma_start3A = arith.constant 0 : i32
    %dma_start3A_3 = tpu.memref_slice %arg5[%dma_start3A] : memref<8200xi32, #tpu.memory_space<vmem>> -> memref<56xi32, #tpu.memory_space<vmem>>
    %dma_start3A_4 = arith.constant 0 : i32
    %dma_start3A_5 = arith.constant 0 : i32
    %dma_start3A_6 = tpu.memref_slice %arg2[%dma_start3A_4, %dma_start3A_5] : memref<1025x512xf32, #tpu.memory_space<hbm>> -> memref<1025x512xf32, #tpu.memory_space<hbm>>
    tpu.enqueue_indirect_dma source(%dma_start3A_6 : memref<1025x512xf32, #tpu.memory_space<hbm>>) target(%arg7 : memref<56x512xf32, #tpu.memory_space<vmem>>) offsets(%dma_start3A_3 : memref<56xi32, #tpu.memory_space<vmem>>) semaphore(%arg9 : memref<!tpu.dma_semaphore, #tpu.memory_space<semaphore_mem>>)
    %dma_start3A_7 = arith.constant 56 : i32
    %dma_start3A_8 = tpu.memref_slice %arg5[%dma_start3A_7] : memref<8200xi32, #tpu.memory_space<vmem>> -> memref<56xi32, #tpu.memory_space<vmem>>
    %dma_start3A_9 = arith.constant 0 : i32
    %dma_start3A_10 = arith.constant 0 : i32
    %dma_start3A_11 = tpu.memref_slice %arg2[%dma_start3A_9, %dma_start3A_10] : memref<1025x512xf32, #tpu.memory_space<hbm>> -> memref<1025x512xf32, #tpu.memory_space<hbm>>
    tpu.enqueue_indirect_dma source(%dma_start3A_11 : memref<1025x512xf32, #tpu.memory_space<hbm>>) target(%arg8 : memref<56x512xf32, #tpu.memory_space<vmem>>) offsets(%dma_start3A_8 : memref<56xi32, #tpu.memory_space<vmem>>) semaphore(%arg10 : memref<!tpu.dma_semaphore, #tpu.memory_space<semaphore_mem>>)
    %dma_wait3A = arith.constant 0 : i32
    %dma_wait3A_12 = tpu.memref_slice %arg5[%dma_wait3A] : memref<8200xi32, #tpu.memory_space<vmem>> -> memref<56xi32, #tpu.memory_space<vmem>>
    %dma_wait3A_13 = arith.constant 0 : i32
    %dma_wait3A_14 = arith.constant 0 : i32
    %dma_wait3A_15 = tpu.memref_slice %arg2[%dma_wait3A_13, %dma_wait3A_14] : memref<1025x512xf32, #tpu.memory_space<hbm>> -> memref<1025x512xf32, #tpu.memory_space<hbm>>
    tpu.wait_indirect_dma semaphore(%arg9 : memref<!tpu.dma_semaphore, #tpu.memory_space<semaphore_mem>>) src(%dma_wait3A_15 : memref<1025x512xf32, #tpu.memory_space<hbm>>) dst(%arg7 : memref<56x512xf32, #tpu.memory_space<vmem>>)
    %mul3A_16 = arith.constant 2 : i32
    %mul3A_17 = arith.muli %arg1, %mul3A_16 : i32
    %add3A_18 = arith.constant 0 : i32
    %add3A_19 = arith.addi %mul3A_17, %add3A_18 : i32
    %mul3A_20 = arith.constant 56 : i32
    %mul3A_21 = arith.muli %add3A_19, %mul3A_20 : i32
    "tpu.region"() ({
      %run_scoped3A = tpu.sem_alloc : memref<!tpu.dma_semaphore, #tpu.memory_space<semaphore_mem>>
      %dma_start3A_204 = arith.constant 0 : i32
      %dma_start3A_205 = tpu.memref_slice %arg6[%mul3A_21, %dma_start3A_204] : memref<1792x512xf32, #tpu.memory_space<vmem_shared>> -> memref<56x512xf32, #tpu.memory_space<vmem_shared>>
      %dma_start3A_206 = arith.constant 0 : i32
      %dma_start3A_207 = tpu.memref_slice %arg6[%mul3A_21, %dma_start3A_206] : memref<1792x512xf32, #tpu.memory_space<vmem_shared>> -> memref<56x512xf32, #tpu.memory_space<vmem_shared>>
      tpu.enqueue_dma source(%arg7 : memref<56x512xf32, #tpu.memory_space<vmem>>) target(%dma_start3A_207 : memref<56x512xf32, #tpu.memory_space<vmem_shared>>) target_semaphore(%run_scoped3A : memref<!tpu.dma_semaphore, #tpu.memory_space<semaphore_mem>>)
      %dma_wait3A_208 = arith.constant 0 : i32
      %dma_wait3A_209 = tpu.memref_slice %arg6[%mul3A_21, %dma_wait3A_208] : memref<1792x512xf32, #tpu.memory_space<vmem_shared>> -> memref<56x512xf32, #tpu.memory_space<vmem_shared>>
      %dma_wait3A_210 = arith.constant 0 : i32
      %dma_wait3A_211 = tpu.memref_slice %arg6[%mul3A_21, %dma_wait3A_210] : memref<1792x512xf32, #tpu.memory_space<vmem_shared>> -> memref<56x512xf32, #tpu.memory_space<vmem_shared>>
      tpu.wait_dma2 semaphore(%run_scoped3A : memref<!tpu.dma_semaphore, #tpu.memory_space<semaphore_mem>>) src(%arg7 : memref<56x512xf32, #tpu.memory_space<vmem>>) dst(%dma_wait3A_211 : memref<56x512xf32, #tpu.memory_space<vmem_shared>>)
      tpu.yield
    }) : () -> ()
    %mul3A_22 = arith.constant 2 : i32
    %mul3A_23 = arith.muli %arg1, %mul3A_22 : i32
    %add3A_24 = arith.constant 0 : i32
    %add3A_25 = arith.addi %mul3A_23, %add3A_24 : i32
    %mul3A_26 = arith.constant 56 : i32
    %mul3A_27 = arith.muli %add3A_25, %mul3A_26 : i32
    %add3A_28 = arith.constant 0 : i32
    %add3A_29 = arith.addi %mul3A_2, %add3A_28 : i32
    %dma_start3A_30 = arith.constant 0 : i32
    %dma_start3A_31 = tpu.memref_slice %arg4[%add3A_29, %dma_start3A_30] : memref<262400x512xf32, #tpu.memory_space<hbm>> -> memref<56x512xf32, #tpu.memory_space<hbm>>
    %dma_start3A_32 = arith.constant 0 : i32
    %dma_start3A_33 = tpu.memref_slice %arg6[%mul3A_27, %dma_start3A_32] : memref<1792x512xf32, #tpu.memory_space<vmem_shared>> -> memref<56x512xf32, #tpu.memory_space<vmem_shared>>
    tpu.enqueue_dma source(%dma_start3A_33 : memref<56x512xf32, #tpu.memory_space<vmem_shared>>) target(%dma_start3A_31 : memref<56x512xf32, #tpu.memory_space<hbm>>) target_semaphore(%arg11 : memref<!tpu.dma_semaphore, #tpu.memory_space<semaphore_mem>>)
    %dma_start3A_34 = arith.constant 112 : i32
    %dma_start3A_35 = tpu.memref_slice %arg5[%dma_start3A_34] : memref<8200xi32, #tpu.memory_space<vmem>> -> memref<56xi32, #tpu.memory_space<vmem>>
    %dma_start3A_36 = arith.constant 0 : i32
    %dma_start3A_37 = arith.constant 0 : i32
    %dma_start3A_38 = tpu.memref_slice %arg2[%dma_start3A_36, %dma_start3A_37] : memref<1025x512xf32, #tpu.memory_space<hbm>> -> memref<1025x512xf32, #tpu.memory_space<hbm>>
    tpu.enqueue_indirect_dma source(%dma_start3A_38 : memref<1025x512xf32, #tpu.memory_space<hbm>>) target(%arg7 : memref<56x512xf32, #tpu.memory_space<vmem>>) offsets(%dma_start3A_35 : memref<56xi32, #tpu.memory_space<vmem>>) semaphore(%arg9 : memref<!tpu.dma_semaphore, #tpu.memory_space<semaphore_mem>>)
    %dma_wait3A_39 = arith.constant 56 : i32
    %dma_wait3A_40 = tpu.memref_slice %arg5[%dma_wait3A_39] : memref<8200xi32, #tpu.memory_space<vmem>> -> memref<56xi32, #tpu.memory_space<vmem>>
    %dma_wait3A_41 = arith.constant 0 : i32
    %dma_wait3A_42 = arith.constant 0 : i32
    %dma_wait3A_43 = tpu.memref_slice %arg2[%dma_wait3A_41, %dma_wait3A_42] : memref<1025x512xf32, #tpu.memory_space<hbm>> -> memref<1025x512xf32, #tpu.memory_space<hbm>>
    tpu.wait_indirect_dma semaphore(%arg10 : memref<!tpu.dma_semaphore, #tpu.memory_space<semaphore_mem>>) src(%dma_wait3A_43 : memref<1025x512xf32, #tpu.memory_space<hbm>>) dst(%arg8 : memref<56x512xf32, #tpu.memory_space<vmem>>)
    %mul3A_44 = arith.constant 2 : i32
    %mul3A_45 = arith.muli %arg1, %mul3A_44 : i32
    %add3A_46 = arith.constant 1 : i32
    %add3A_47 = arith.addi %mul3A_45, %add3A_46 : i32
    %mul3A_48 = arith.constant 56 : i32
    %mul3A_49 = arith.muli %add3A_47, %mul3A_48 : i32
    "tpu.region"() ({
      %run_scoped3A = tpu.sem_alloc : memref<!tpu.dma_semaphore, #tpu.memory_space<semaphore_mem>>
      %dma_start3A_204 = arith.constant 0 : i32
      %dma_start3A_205 = tpu.memref_slice %arg6[%mul3A_49, %dma_start3A_204] : memref<1792x512xf32, #tpu.memory_space<vmem_shared>> -> memref<56x512xf32, #tpu.memory_space<vmem_shared>>
      %dma_start3A_206 = arith.constant 0 : i32
      %dma_start3A_207 = tpu.memref_slice %arg6[%mul3A_49, %dma_start3A_206] : memref<1792x512xf32, #tpu.memory_space<vmem_shared>> -> memref<56x512xf32, #tpu.memory_space<vmem_shared>>
      tpu.enqueue_dma source(%arg8 : memref<56x512xf32, #tpu.memory_space<vmem>>) target(%dma_start3A_207 : memref<56x512xf32, #tpu.memory_space<vmem_shared>>) target_semaphore(%run_scoped3A : memref<!tpu.dma_semaphore, #tpu.memory_space<semaphore_mem>>)
      %dma_wait3A_208 = arith.constant 0 : i32
      %dma_wait3A_209 = tpu.memref_slice %arg6[%mul3A_49, %dma_wait3A_208] : memref<1792x512xf32, #tpu.memory_space<vmem_shared>> -> memref<56x512xf32, #tpu.memory_space<vmem_shared>>
      %dma_wait3A_210 = arith.constant 0 : i32
      %dma_wait3A_211 = tpu.memref_slice %arg6[%mul3A_49, %dma_wait3A_210] : memref<1792x512xf32, #tpu.memory_space<vmem_shared>> -> memref<56x512xf32, #tpu.memory_space<vmem_shared>>
      tpu.wait_dma2 semaphore(%run_scoped3A : memref<!tpu.dma_semaphore, #tpu.memory_space<semaphore_mem>>) src(%arg8 : memref<56x512xf32, #tpu.memory_space<vmem>>) dst(%dma_wait3A_211 : memref<56x512xf32, #tpu.memory_space<vmem_shared>>)
      tpu.yield
    }) : () -> ()
    %mul3A_50 = arith.constant 2 : i32
    %mul3A_51 = arith.muli %arg1, %mul3A_50 : i32
    %add3A_52 = arith.constant 1 : i32
    %add3A_53 = arith.addi %mul3A_51, %add3A_52 : i32
    %mul3A_54 = arith.constant 56 : i32
    %mul3A_55 = arith.muli %add3A_53, %mul3A_54 : i32
    %add3A_56 = arith.constant 56 : i32
    %add3A_57 = arith.addi %mul3A_2, %add3A_56 : i32
    %dma_start3A_58 = arith.constant 0 : i32
    %dma_start3A_59 = tpu.memref_slice %arg4[%add3A_57, %dma_start3A_58] : memref<262400x512xf32, #tpu.memory_space<hbm>> -> memref<56x512xf32, #tpu.memory_space<hbm>>
    %dma_start3A_60 = arith.constant 0 : i32
    %dma_start3A_61 = tpu.memref_slice %arg6[%mul3A_55, %dma_start3A_60] : memref<1792x512xf32, #tpu.memory_space<vmem_shared>> -> memref<56x512xf32, #tpu.memory_space<vmem_shared>>
    tpu.enqueue_dma source(%dma_start3A_61 : memref<56x512xf32, #tpu.memory_space<vmem_shared>>) target(%dma_start3A_59 : memref<56x512xf32, #tpu.memory_space<hbm>>) target_semaphore(%arg12 : memref<!tpu.dma_semaphore, #tpu.memory_space<semaphore_mem>>)
    %dma_start3A_62 = arith.constant 168 : i32
    %dma_start3A_63 = tpu.memref_slice %arg5[%dma_start3A_62] : memref<8200xi32, #tpu.memory_space<vmem>> -> memref<56xi32, #tpu.memory_space<vmem>>
    %dma_start3A_64 = arith.constant 0 : i32
    %dma_start3A_65 = arith.constant 0 : i32
    %dma_start3A_66 = tpu.memref_slice %arg2[%dma_start3A_64, %dma_start3A_65] : memref<1025x512xf32, #tpu.memory_space<hbm>> -> memref<1025x512xf32, #tpu.memory_space<hbm>>
    tpu.enqueue_indirect_dma source(%dma_start3A_66 : memref<1025x512xf32, #tpu.memory_space<hbm>>) target(%arg8 : memref<56x512xf32, #tpu.memory_space<vmem>>) offsets(%dma_start3A_63 : memref<56xi32, #tpu.memory_space<vmem>>) semaphore(%arg10 : memref<!tpu.dma_semaphore, #tpu.memory_space<semaphore_mem>>)
    %scan3A = arith.constant 0 : i32
    %scan3A_67 = arith.constant 1 : i32
    %scan3A_68 = arith.constant 71 : i32
    %scan3A_69 = arith.addi %scan3A_67, %scan3A_68 : i32
    %scan3A_70 = arith.constant 1 : i32
    scf.for %scan3A_204 = %scan3A_67 to %scan3A_69 step %scan3A_70  : i32 {
      %mul3A_205 = arith.constant 2 : i32
      %mul3A_206 = arith.muli %scan3A_204, %mul3A_205 : i32
      %add3A_207 = arith.constant 0 : i32
      %add3A_208 = arith.addi %mul3A_206, %add3A_207 : i32
      %mul3A_209 = arith.constant 56 : i32
      %mul3A_210 = arith.muli %add3A_208, %mul3A_209 : i32
      %dma_wait3A_211 = tpu.memref_slice %arg5[%mul3A_210] : memref<8200xi32, #tpu.memory_space<vmem>> -> memref<56xi32, #tpu.memory_space<vmem>>
      %dma_wait3A_212 = arith.constant 0 : i32
      %dma_wait3A_213 = arith.constant 0 : i32
      %dma_wait3A_214 = tpu.memref_slice %arg2[%dma_wait3A_212, %dma_wait3A_213] : memref<1025x512xf32, #tpu.memory_space<hbm>> -> memref<1025x512xf32, #tpu.memory_space<hbm>>
      tpu.wait_indirect_dma semaphore(%arg9 : memref<!tpu.dma_semaphore, #tpu.memory_space<semaphore_mem>>) src(%dma_wait3A_214 : memref<1025x512xf32, #tpu.memory_space<hbm>>) dst(%arg7 : memref<56x512xf32, #tpu.memory_space<vmem>>)
      %sub3A = arith.constant 2 : i32
      %sub3A_215 = arith.subi %add3A_208, %sub3A : i32
      %mul3A_216 = arith.constant 2 : i32
      %mul3A_217 = arith.muli %arg1, %mul3A_216 : i32
      %add3A_218 = arith.constant 0 : i32
      %add3A_219 = arith.addi %mul3A_217, %add3A_218 : i32
      %mul3A_220 = arith.constant 56 : i32
      %mul3A_221 = arith.muli %add3A_219, %mul3A_220 : i32
      %mul3A_222 = arith.constant 56 : i32
      %mul3A_223 = arith.muli %sub3A_215, %mul3A_222 : i32
      %add3A_224 = arith.addi %mul3A_2, %mul3A_223 : i32
      %dma_wait3A_225 = arith.constant 0 : i32
      %dma_wait3A_226 = tpu.memref_slice %arg4[%add3A_224, %dma_wait3A_225] : memref<262400x512xf32, #tpu.memory_space<hbm>> -> memref<56x512xf32, #tpu.memory_space<hbm>>
      %dma_wait3A_227 = arith.constant 0 : i32
      %dma_wait3A_228 = tpu.memref_slice %arg6[%mul3A_221, %dma_wait3A_227] : memref<1792x512xf32, #tpu.memory_space<vmem_shared>> -> memref<56x512xf32, #tpu.memory_space<vmem_shared>>
      tpu.wait_dma2 semaphore(%arg11 : memref<!tpu.dma_semaphore, #tpu.memory_space<semaphore_mem>>) src(%dma_wait3A_228 : memref<56x512xf32, #tpu.memory_space<vmem_shared>>) dst(%dma_wait3A_226 : memref<56x512xf32, #tpu.memory_space<hbm>>)
      %mul3A_229 = arith.constant 2 : i32
      %mul3A_230 = arith.muli %arg1, %mul3A_229 : i32
      %add3A_231 = arith.constant 0 : i32
      %add3A_232 = arith.addi %mul3A_230, %add3A_231 : i32
      %mul3A_233 = arith.constant 56 : i32
      %mul3A_234 = arith.muli %add3A_232, %mul3A_233 : i32
      "tpu.region"() ({
        %run_scoped3A = tpu.sem_alloc : memref<!tpu.dma_semaphore, #tpu.memory_space<semaphore_mem>>
        %dma_start3A_306 = arith.constant 0 : i32
        %dma_start3A_307 = tpu.memref_slice %arg6[%mul3A_234, %dma_start3A_306] : memref<1792x512xf32, #tpu.memory_space<vmem_shared>> -> memref<56x512xf32, #tpu.memory_space<vmem_shared>>
        %dma_start3A_308 = arith.constant 0 : i32
        %dma_start3A_309 = tpu.memref_slice %arg6[%mul3A_234, %dma_start3A_308] : memref<1792x512xf32, #tpu.memory_space<vmem_shared>> -> memref<56x512xf32, #tpu.memory_space<vmem_shared>>
        tpu.enqueue_dma source(%arg7 : memref<56x512xf32, #tpu.memory_space<vmem>>) target(%dma_start3A_309 : memref<56x512xf32, #tpu.memory_space<vmem_shared>>) target_semaphore(%run_scoped3A : memref<!tpu.dma_semaphore, #tpu.memory_space<semaphore_mem>>)
        %dma_wait3A_310 = arith.constant 0 : i32
        %dma_wait3A_311 = tpu.memref_slice %arg6[%mul3A_234, %dma_wait3A_310] : memref<1792x512xf32, #tpu.memory_space<vmem_shared>> -> memref<56x512xf32, #tpu.memory_space<vmem_shared>>
        %dma_wait3A_312 = arith.constant 0 : i32
        %dma_wait3A_313 = tpu.memref_slice %arg6[%mul3A_234, %dma_wait3A_312] : memref<1792x512xf32, #tpu.memory_space<vmem_shared>> -> memref<56x512xf32, #tpu.memory_space<vmem_shared>>
        tpu.wait_dma2 semaphore(%run_scoped3A : memref<!tpu.dma_semaphore, #tpu.memory_space<semaphore_mem>>) src(%arg7 : memref<56x512xf32, #tpu.memory_space<vmem>>) dst(%dma_wait3A_313 : memref<56x512xf32, #tpu.memory_space<vmem_shared>>)
        tpu.yield
      }) : () -> ()
      %mul3A_235 = arith.constant 2 : i32
      %mul3A_236 = arith.muli %arg1, %mul3A_235 : i32
      %add3A_237 = arith.constant 0 : i32
      %add3A_238 = arith.addi %mul3A_236, %add3A_237 : i32
      %mul3A_239 = arith.constant 56 : i32
      %mul3A_240 = arith.muli %add3A_238, %mul3A_239 : i32
      %mul3A_241 = arith.constant 56 : i32
      %mul3A_242 = arith.muli %add3A_208, %mul3A_241 : i32
      %add3A_243 = arith.addi %mul3A_2, %mul3A_242 : i32
      %dma_start3A_244 = arith.constant 0 : i32
      %dma_start3A_245 = tpu.memref_slice %arg4[%add3A_243, %dma_start3A_244] : memref<262400x512xf32, #tpu.memory_space<hbm>> -> memref<56x512xf32, #tpu.memory_space<hbm>>
      %dma_start3A_246 = arith.constant 0 : i32
      %dma_start3A_247 = tpu.memref_slice %arg6[%mul3A_240, %dma_start3A_246] : memref<1792x512xf32, #tpu.memory_space<vmem_shared>> -> memref<56x512xf32, #tpu.memory_space<vmem_shared>>
      tpu.enqueue_dma source(%dma_start3A_247 : memref<56x512xf32, #tpu.memory_space<vmem_shared>>) target(%dma_start3A_245 : memref<56x512xf32, #tpu.memory_space<hbm>>) target_semaphore(%arg11 : memref<!tpu.dma_semaphore, #tpu.memory_space<semaphore_mem>>)
      %add3A_248 = arith.constant 2 : i32
      %add3A_249 = arith.addi %add3A_208, %add3A_248 : i32
      %mul3A_250 = arith.constant 56 : i32
      %mul3A_251 = arith.muli %add3A_249, %mul3A_250 : i32
      %dma_start3A_252 = tpu.memref_slice %arg5[%mul3A_251] : memref<8200xi32, #tpu.memory_space<vmem>> -> memref<56xi32, #tpu.memory_space<vmem>>
      %dma_start3A_253 = arith.constant 0 : i32
      %dma_start3A_254 = arith.constant 0 : i32
      %dma_start3A_255 = tpu.memref_slice %arg2[%dma_start3A_253, %dma_start3A_254] : memref<1025x512xf32, #tpu.memory_space<hbm>> -> memref<1025x512xf32, #tpu.memory_space<hbm>>
      tpu.enqueue_indirect_dma source(%dma_start3A_255 : memref<1025x512xf32, #tpu.memory_space<hbm>>) target(%arg7 : memref<56x512xf32, #tpu.memory_space<vmem>>) offsets(%dma_start3A_252 : memref<56xi32, #tpu.memory_space<vmem>>) semaphore(%arg9 : memref<!tpu.dma_semaphore, #tpu.memory_space<semaphore_mem>>)
      %add3A_256 = arith.constant 1 : i32
      %add3A_257 = arith.addi %mul3A_206, %add3A_256 : i32
      %mul3A_258 = arith.constant 56 : i32
      %mul3A_259 = arith.muli %add3A_257, %mul3A_258 : i32
      %dma_wait3A_260 = tpu.memref_slice %arg5[%mul3A_259] : memref<8200xi32, #tpu.memory_space<vmem>> -> memref<56xi32, #tpu.memory_space<vmem>>
      %dma_wait3A_261 = arith.constant 0 : i32
      %dma_wait3A_262 = arith.constant 0 : i32
      %dma_wait3A_263 = tpu.memref_slice %arg2[%dma_wait3A_261, %dma_wait3A_262] : memref<1025x512xf32, #tpu.memory_space<hbm>> -> memref<1025x512xf32, #tpu.memory_space<hbm>>
      tpu.wait_indirect_dma semaphore(%arg10 : memref<!tpu.dma_semaphore, #tpu.memory_space<semaphore_mem>>) src(%dma_wait3A_263 : memref<1025x512xf32, #tpu.memory_space<hbm>>) dst(%arg8 : memref<56x512xf32, #tpu.memory_space<vmem>>)
      %sub3A_264 = arith.constant 2 : i32
      %sub3A_265 = arith.subi %add3A_257, %sub3A_264 : i32
      %mul3A_266 = arith.constant 2 : i32
      %mul3A_267 = arith.muli %arg1, %mul3A_266 : i32
      %add3A_268 = arith.constant 1 : i32
      %add3A_269 = arith.addi %mul3A_267, %add3A_268 : i32
      %mul3A_270 = arith.constant 56 : i32
      %mul3A_271 = arith.muli %add3A_269, %mul3A_270 : i32
      %mul3A_272 = arith.constant 56 : i32
      %mul3A_273 = arith.muli %sub3A_265, %mul3A_272 : i32
      %add3A_274 = arith.addi %mul3A_2, %mul3A_273 : i32
      %dma_wait3A_275 = arith.constant 0 : i32
      %dma_wait3A_276 = tpu.memref_slice %arg4[%add3A_274, %dma_wait3A_275] : memref<262400x512xf32, #tpu.memory_space<hbm>> -> memref<56x512xf32, #tpu.memory_space<hbm>>
      %dma_wait3A_277 = arith.constant 0 : i32
      %dma_wait3A_278 = tpu.memref_slice %arg6[%mul3A_271, %dma_wait3A_277] : memref<1792x512xf32, #tpu.memory_space<vmem_shared>> -> memref<56x512xf32, #tpu.memory_space<vmem_shared>>
      tpu.wait_dma2 semaphore(%arg12 : memref<!tpu.dma_semaphore, #tpu.memory_space<semaphore_mem>>) src(%dma_wait3A_278 : memref<56x512xf32, #tpu.memory_space<vmem_shared>>) dst(%dma_wait3A_276 : memref<56x512xf32, #tpu.memory_space<hbm>>)
      %mul3A_279 = arith.constant 2 : i32
      %mul3A_280 = arith.muli %arg1, %mul3A_279 : i32
      %add3A_281 = arith.constant 1 : i32
      %add3A_282 = arith.addi %mul3A_280, %add3A_281 : i32
      %mul3A_283 = arith.constant 56 : i32
      %mul3A_284 = arith.muli %add3A_282, %mul3A_283 : i32
      "tpu.region"() ({
        %run_scoped3A = tpu.sem_alloc : memref<!tpu.dma_semaphore, #tpu.memory_space<semaphore_mem>>
        %dma_start3A_306 = arith.constant 0 : i32
        %dma_start3A_307 = tpu.memref_slice %arg6[%mul3A_284, %dma_start3A_306] : memref<1792x512xf32, #tpu.memory_space<vmem_shared>> -> memref<56x512xf32, #tpu.memory_space<vmem_shared>>
        %dma_start3A_308 = arith.constant 0 : i32
        %dma_start3A_309 = tpu.memref_slice %arg6[%mul3A_284, %dma_start3A_308] : memref<1792x512xf32, #tpu.memory_space<vmem_shared>> -> memref<56x512xf32, #tpu.memory_space<vmem_shared>>
        tpu.enqueue_dma source(%arg8 : memref<56x512xf32, #tpu.memory_space<vmem>>) target(%dma_start3A_309 : memref<56x512xf32, #tpu.memory_space<vmem_shared>>) target_semaphore(%run_scoped3A : memref<!tpu.dma_semaphore, #tpu.memory_space<semaphore_mem>>)
        %dma_wait3A_310 = arith.constant 0 : i32
        %dma_wait3A_311 = tpu.memref_slice %arg6[%mul3A_284, %dma_wait3A_310] : memref<1792x512xf32, #tpu.memory_space<vmem_shared>> -> memref<56x512xf32, #tpu.memory_space<vmem_shared>>
        %dma_wait3A_312 = arith.constant 0 : i32
        %dma_wait3A_313 = tpu.memref_slice %arg6[%mul3A_284, %dma_wait3A_312] : memref<1792x512xf32, #tpu.memory_space<vmem_shared>> -> memref<56x512xf32, #tpu.memory_space<vmem_shared>>
        tpu.wait_dma2 semaphore(%run_scoped3A : memref<!tpu.dma_semaphore, #tpu.memory_space<semaphore_mem>>) src(%arg8 : memref<56x512xf32, #tpu.memory_space<vmem>>) dst(%dma_wait3A_313 : memref<56x512xf32, #tpu.memory_space<vmem_shared>>)
        tpu.yield
      }) : () -> ()
      %mul3A_285 = arith.constant 2 : i32
      %mul3A_286 = arith.muli %arg1, %mul3A_285 : i32
      %add3A_287 = arith.constant 1 : i32
      %add3A_288 = arith.addi %mul3A_286, %add3A_287 : i32
      %mul3A_289 = arith.constant 56 : i32
      %mul3A_290 = arith.muli %add3A_288, %mul3A_289 : i32
      %mul3A_291 = arith.constant 56 : i32
      %mul3A_292 = arith.muli %add3A_257, %mul3A_291 : i32
      %add3A_293 = arith.addi %mul3A_2, %mul3A_292 : i32
      %dma_start3A_294 = arith.constant 0 : i32
      %dma_start3A_295 = tpu.memref_slice %arg4[%add3A_293, %dma_start3A_294] : memref<262400x512xf32, #tpu.memory_space<hbm>> -> memref<56x512xf32, #tpu.memory_space<hbm>>
      %dma_start3A_296 = arith.constant 0 : i32
      %dma_start3A_297 = tpu.memref_slice %arg6[%mul3A_290, %dma_start3A_296] : memref<1792x512xf32, #tpu.memory_space<vmem_shared>> -> memref<56x512xf32, #tpu.memory_space<vmem_shared>>
      tpu.enqueue_dma source(%dma_start3A_297 : memref<56x512xf32, #tpu.memory_space<vmem_shared>>) target(%dma_start3A_295 : memref<56x512xf32, #tpu.memory_space<hbm>>) target_semaphore(%arg12 : memref<!tpu.dma_semaphore, #tpu.memory_space<semaphore_mem>>)
      %add3A_298 = arith.constant 2 : i32
      %add3A_299 = arith.addi %add3A_257, %add3A_298 : i32
      %mul3A_300 = arith.constant 56 : i32
      %mul3A_301 = arith.muli %add3A_299, %mul3A_300 : i32
      %dma_start3A_302 = tpu.memref_slice %arg5[%mul3A_301] : memref<8200xi32, #tpu.memory_space<vmem>> -> memref<56xi32, #tpu.memory_space<vmem>>
      %dma_start3A_303 = arith.constant 0 : i32
      %dma_start3A_304 = arith.constant 0 : i32
      %dma_start3A_305 = tpu.memref_slice %arg2[%dma_start3A_303, %dma_start3A_304] : memref<1025x512xf32, #tpu.memory_space<hbm>> -> memref<1025x512xf32, #tpu.memory_space<hbm>>
      tpu.enqueue_indirect_dma source(%dma_start3A_305 : memref<1025x512xf32, #tpu.memory_space<hbm>>) target(%arg8 : memref<56x512xf32, #tpu.memory_space<vmem>>) offsets(%dma_start3A_302 : memref<56xi32, #tpu.memory_space<vmem>>) semaphore(%arg10 : memref<!tpu.dma_semaphore, #tpu.memory_space<semaphore_mem>>)
    }
    %scan3A_71 = arith.constant 71 : i32
    %dma_wait3A_72 = arith.constant 8064 : i32
    %dma_wait3A_73 = tpu.memref_slice %arg5[%dma_wait3A_72] : memref<8200xi32, #tpu.memory_space<vmem>> -> memref<56xi32, #tpu.memory_space<vmem>>
    %dma_wait3A_74 = arith.constant 0 : i32
    %dma_wait3A_75 = arith.constant 0 : i32
    %dma_wait3A_76 = tpu.memref_slice %arg2[%dma_wait3A_74, %dma_wait3A_75] : memref<1025x512xf32, #tpu.memory_space<hbm>> -> memref<1025x512xf32, #tpu.memory_space<hbm>>
    tpu.wait_indirect_dma semaphore(%arg9 : memref<!tpu.dma_semaphore, #tpu.memory_space<semaphore_mem>>) src(%dma_wait3A_76 : memref<1025x512xf32, #tpu.memory_space<hbm>>) dst(%arg7 : memref<56x512xf32, #tpu.memory_space<vmem>>)
    %mul3A_77 = arith.constant 2 : i32
    %mul3A_78 = arith.muli %arg1, %mul3A_77 : i32
    %add3A_79 = arith.constant 0 : i32
    %add3A_80 = arith.addi %mul3A_78, %add3A_79 : i32
    %mul3A_81 = arith.constant 56 : i32
    %mul3A_82 = arith.muli %add3A_80, %mul3A_81 : i32
    %add3A_83 = arith.constant 7952 : i32
    %add3A_84 = arith.addi %mul3A_2, %add3A_83 : i32
    %dma_wait3A_85 = arith.constant 0 : i32
    %dma_wait3A_86 = tpu.memref_slice %arg4[%add3A_84, %dma_wait3A_85] : memref<262400x512xf32, #tpu.memory_space<hbm>> -> memref<56x512xf32, #tpu.memory_space<hbm>>
    %dma_wait3A_87 = arith.constant 0 : i32
    %dma_wait3A_88 = tpu.memref_slice %arg6[%mul3A_82, %dma_wait3A_87] : memref<1792x512xf32, #tpu.memory_space<vmem_shared>> -> memref<56x512xf32, #tpu.memory_space<vmem_shared>>
    tpu.wait_dma2 semaphore(%arg11 : memref<!tpu.dma_semaphore, #tpu.memory_space<semaphore_mem>>) src(%dma_wait3A_88 : memref<56x512xf32, #tpu.memory_space<vmem_shared>>) dst(%dma_wait3A_86 : memref<56x512xf32, #tpu.memory_space<hbm>>)
    %mul3A_89 = arith.constant 2 : i32
    %mul3A_90 = arith.muli %arg1, %mul3A_89 : i32
    %add3A_91 = arith.constant 0 : i32
    %add3A_92 = arith.addi %mul3A_90, %add3A_91 : i32
    %mul3A_93 = arith.constant 56 : i32
    %mul3A_94 = arith.muli %add3A_92, %mul3A_93 : i32
    "tpu.region"() ({
      %run_scoped3A = tpu.sem_alloc : memref<!tpu.dma_semaphore, #tpu.memory_space<semaphore_mem>>
      %dma_start3A_204 = arith.constant 0 : i32
      %dma_start3A_205 = tpu.memref_slice %arg6[%mul3A_94, %dma_start3A_204] : memref<1792x512xf32, #tpu.memory_space<vmem_shared>> -> memref<56x512xf32, #tpu.memory_space<vmem_shared>>
      %dma_start3A_206 = arith.constant 0 : i32
      %dma_start3A_207 = tpu.memref_slice %arg6[%mul3A_94, %dma_start3A_206] : memref<1792x512xf32, #tpu.memory_space<vmem_shared>> -> memref<56x512xf32, #tpu.memory_space<vmem_shared>>
      tpu.enqueue_dma source(%arg7 : memref<56x512xf32, #tpu.memory_space<vmem>>) target(%dma_start3A_207 : memref<56x512xf32, #tpu.memory_space<vmem_shared>>) target_semaphore(%run_scoped3A : memref<!tpu.dma_semaphore, #tpu.memory_space<semaphore_mem>>)
      %dma_wait3A_208 = arith.constant 0 : i32
      %dma_wait3A_209 = tpu.memref_slice %arg6[%mul3A_94, %dma_wait3A_208] : memref<1792x512xf32, #tpu.memory_space<vmem_shared>> -> memref<56x512xf32, #tpu.memory_space<vmem_shared>>
      %dma_wait3A_210 = arith.constant 0 : i32
      %dma_wait3A_211 = tpu.memref_slice %arg6[%mul3A_94, %dma_wait3A_210] : memref<1792x512xf32, #tpu.memory_space<vmem_shared>> -> memref<56x512xf32, #tpu.memory_space<vmem_shared>>
      tpu.wait_dma2 semaphore(%run_scoped3A : memref<!tpu.dma_semaphore, #tpu.memory_space<semaphore_mem>>) src(%arg7 : memref<56x512xf32, #tpu.memory_space<vmem>>) dst(%dma_wait3A_211 : memref<56x512xf32, #tpu.memory_space<vmem_shared>>)
      tpu.yield
    }) : () -> ()
    %mul3A_95 = arith.constant 2 : i32
    %mul3A_96 = arith.muli %arg1, %mul3A_95 : i32
    %add3A_97 = arith.constant 0 : i32
    %add3A_98 = arith.addi %mul3A_96, %add3A_97 : i32
    %mul3A_99 = arith.constant 56 : i32
    %mul3A_100 = arith.muli %add3A_98, %mul3A_99 : i32
    %add3A_101 = arith.constant 8064 : i32
    %add3A_102 = arith.addi %mul3A_2, %add3A_101 : i32
    %dma_start3A_103 = arith.constant 0 : i32
    %dma_start3A_104 = tpu.memref_slice %arg4[%add3A_102, %dma_start3A_103] : memref<262400x512xf32, #tpu.memory_space<hbm>> -> memref<56x512xf32, #tpu.memory_space<hbm>>
    %dma_start3A_105 = arith.constant 0 : i32
    %dma_start3A_106 = tpu.memref_slice %arg6[%mul3A_100, %dma_start3A_105] : memref<1792x512xf32, #tpu.memory_space<vmem_shared>> -> memref<56x512xf32, #tpu.memory_space<vmem_shared>>
    tpu.enqueue_dma source(%dma_start3A_106 : memref<56x512xf32, #tpu.memory_space<vmem_shared>>) target(%dma_start3A_104 : memref<56x512xf32, #tpu.memory_space<hbm>>) target_semaphore(%arg11 : memref<!tpu.dma_semaphore, #tpu.memory_space<semaphore_mem>>)
    %dma_wait3A_107 = arith.constant 8120 : i32
    %dma_wait3A_108 = tpu.memref_slice %arg5[%dma_wait3A_107] : memref<8200xi32, #tpu.memory_space<vmem>> -> memref<56xi32, #tpu.memory_space<vmem>>
    %dma_wait3A_109 = arith.constant 0 : i32
    %dma_wait3A_110 = arith.constant 0 : i32
    %dma_wait3A_111 = tpu.memref_slice %arg2[%dma_wait3A_109, %dma_wait3A_110] : memref<1025x512xf32, #tpu.memory_space<hbm>> -> memref<1025x512xf32, #tpu.memory_space<hbm>>
    tpu.wait_indirect_dma semaphore(%arg10 : memref<!tpu.dma_semaphore, #tpu.memory_space<semaphore_mem>>) src(%dma_wait3A_111 : memref<1025x512xf32, #tpu.memory_space<hbm>>) dst(%arg8 : memref<56x512xf32, #tpu.memory_space<vmem>>)
    %mul3A_112 = arith.constant 2 : i32
    %mul3A_113 = arith.muli %arg1, %mul3A_112 : i32
    %add3A_114 = arith.constant 1 : i32
    %add3A_115 = arith.addi %mul3A_113, %add3A_114 : i32
    %mul3A_116 = arith.constant 56 : i32
    %mul3A_117 = arith.muli %add3A_115, %mul3A_116 : i32
    %add3A_118 = arith.constant 8008 : i32
    %add3A_119 = arith.addi %mul3A_2, %add3A_118 : i32
    %dma_wait3A_120 = arith.constant 0 : i32
    %dma_wait3A_121 = tpu.memref_slice %arg4[%add3A_119, %dma_wait3A_120] : memref<262400x512xf32, #tpu.memory_space<hbm>> -> memref<56x512xf32, #tpu.memory_space<hbm>>
    %dma_wait3A_122 = arith.constant 0 : i32
    %dma_wait3A_123 = tpu.memref_slice %arg6[%mul3A_117, %dma_wait3A_122] : memref<1792x512xf32, #tpu.memory_space<vmem_shared>> -> memref<56x512xf32, #tpu.memory_space<vmem_shared>>
    tpu.wait_dma2 semaphore(%arg12 : memref<!tpu.dma_semaphore, #tpu.memory_space<semaphore_mem>>) src(%dma_wait3A_123 : memref<56x512xf32, #tpu.memory_space<vmem_shared>>) dst(%dma_wait3A_121 : memref<56x512xf32, #tpu.memory_space<hbm>>)
    %mul3A_124 = arith.constant 2 : i32
    %mul3A_125 = arith.muli %arg1, %mul3A_124 : i32
    %add3A_126 = arith.constant 1 : i32
    %add3A_127 = arith.addi %mul3A_125, %add3A_126 : i32
    %mul3A_128 = arith.constant 56 : i32
    %mul3A_129 = arith.muli %add3A_127, %mul3A_128 : i32
    "tpu.region"() ({
      %run_scoped3A = tpu.sem_alloc : memref<!tpu.dma_semaphore, #tpu.memory_space<semaphore_mem>>
      %dma_start3A_204 = arith.constant 0 : i32
      %dma_start3A_205 = tpu.memref_slice %arg6[%mul3A_129, %dma_start3A_204] : memref<1792x512xf32, #tpu.memory_space<vmem_shared>> -> memref<56x512xf32, #tpu.memory_space<vmem_shared>>
      %dma_start3A_206 = arith.constant 0 : i32
      %dma_start3A_207 = tpu.memref_slice %arg6[%mul3A_129, %dma_start3A_206] : memref<1792x512xf32, #tpu.memory_space<vmem_shared>> -> memref<56x512xf32, #tpu.memory_space<vmem_shared>>
      tpu.enqueue_dma source(%arg8 : memref<56x512xf32, #tpu.memory_space<vmem>>) target(%dma_start3A_207 : memref<56x512xf32, #tpu.memory_space<vmem_shared>>) target_semaphore(%run_scoped3A : memref<!tpu.dma_semaphore, #tpu.memory_space<semaphore_mem>>)
      %dma_wait3A_208 = arith.constant 0 : i32
      %dma_wait3A_209 = tpu.memref_slice %arg6[%mul3A_129, %dma_wait3A_208] : memref<1792x512xf32, #tpu.memory_space<vmem_shared>> -> memref<56x512xf32, #tpu.memory_space<vmem_shared>>
      %dma_wait3A_210 = arith.constant 0 : i32
      %dma_wait3A_211 = tpu.memref_slice %arg6[%mul3A_129, %dma_wait3A_210] : memref<1792x512xf32, #tpu.memory_space<vmem_shared>> -> memref<56x512xf32, #tpu.memory_space<vmem_shared>>
      tpu.wait_dma2 semaphore(%run_scoped3A : memref<!tpu.dma_semaphore, #tpu.memory_space<semaphore_mem>>) src(%arg8 : memref<56x512xf32, #tpu.memory_space<vmem>>) dst(%dma_wait3A_211 : memref<56x512xf32, #tpu.memory_space<vmem_shared>>)
      tpu.yield
    }) : () -> ()
    %mul3A_130 = arith.constant 2 : i32
    %mul3A_131 = arith.muli %arg1, %mul3A_130 : i32
    %add3A_132 = arith.constant 1 : i32
    %add3A_133 = arith.addi %mul3A_131, %add3A_132 : i32
    %mul3A_134 = arith.constant 56 : i32
    %mul3A_135 = arith.muli %add3A_133, %mul3A_134 : i32
    %add3A_136 = arith.constant 8120 : i32
    %add3A_137 = arith.addi %mul3A_2, %add3A_136 : i32
    %dma_start3A_138 = arith.constant 0 : i32
    %dma_start3A_139 = tpu.memref_slice %arg4[%add3A_137, %dma_start3A_138] : memref<262400x512xf32, #tpu.memory_space<hbm>> -> memref<56x512xf32, #tpu.memory_space<hbm>>
    %dma_start3A_140 = arith.constant 0 : i32
    %dma_start3A_141 = tpu.memref_slice %arg6[%mul3A_135, %dma_start3A_140] : memref<1792x512xf32, #tpu.memory_space<vmem_shared>> -> memref<56x512xf32, #tpu.memory_space<vmem_shared>>
    tpu.enqueue_dma source(%dma_start3A_141 : memref<56x512xf32, #tpu.memory_space<vmem_shared>>) target(%dma_start3A_139 : memref<56x512xf32, #tpu.memory_space<hbm>>) target_semaphore(%arg12 : memref<!tpu.dma_semaphore, #tpu.memory_space<semaphore_mem>>)
    %dma_start3A_142 = arith.constant 0 : i32
    %dma_start3A_143 = arith.constant 0 : i32
    %dma_start3A_144 = tpu.memref_slice %arg7[%dma_start3A_142, %dma_start3A_143] : memref<56x512xf32, #tpu.memory_space<vmem>> -> memref<24x512xf32, #tpu.memory_space<vmem>>
    %dma_start3A_145 = arith.constant 8176 : i32
    %dma_start3A_146 = tpu.memref_slice %arg5[%dma_start3A_145] : memref<8200xi32, #tpu.memory_space<vmem>> -> memref<24xi32, #tpu.memory_space<vmem>>
    %dma_start3A_147 = arith.constant 0 : i32
    %dma_start3A_148 = arith.constant 0 : i32
    %dma_start3A_149 = tpu.memref_slice %arg2[%dma_start3A_147, %dma_start3A_148] : memref<1025x512xf32, #tpu.memory_space<hbm>> -> memref<1025x512xf32, #tpu.memory_space<hbm>>
    tpu.enqueue_indirect_dma source(%dma_start3A_149 : memref<1025x512xf32, #tpu.memory_space<hbm>>) target(%dma_start3A_144 : memref<24x512xf32, #tpu.memory_space<vmem>>) offsets(%dma_start3A_146 : memref<24xi32, #tpu.memory_space<vmem>>) semaphore(%arg9 : memref<!tpu.dma_semaphore, #tpu.memory_space<semaphore_mem>>)
    %dma_wait3A_150 = arith.constant 0 : i32
    %dma_wait3A_151 = arith.constant 0 : i32
    %dma_wait3A_152 = tpu.memref_slice %arg7[%dma_wait3A_150, %dma_wait3A_151] : memref<56x512xf32, #tpu.memory_space<vmem>> -> memref<24x512xf32, #tpu.memory_space<vmem>>
    %dma_wait3A_153 = arith.constant 8176 : i32
    %dma_wait3A_154 = tpu.memref_slice %arg5[%dma_wait3A_153] : memref<8200xi32, #tpu.memory_space<vmem>> -> memref<24xi32, #tpu.memory_space<vmem>>
    %dma_wait3A_155 = arith.constant 0 : i32
    %dma_wait3A_156 = arith.constant 0 : i32
    %dma_wait3A_157 = tpu.memref_slice %arg2[%dma_wait3A_155, %dma_wait3A_156] : memref<1025x512xf32, #tpu.memory_space<hbm>> -> memref<1025x512xf32, #tpu.memory_space<hbm>>
    tpu.wait_indirect_dma semaphore(%arg9 : memref<!tpu.dma_semaphore, #tpu.memory_space<semaphore_mem>>) src(%dma_wait3A_157 : memref<1025x512xf32, #tpu.memory_space<hbm>>) dst(%dma_wait3A_152 : memref<24x512xf32, #tpu.memory_space<vmem>>)
    %mul3A_158 = arith.constant 2 : i32
    %mul3A_159 = arith.muli %arg1, %mul3A_158 : i32
    %add3A_160 = arith.constant 0 : i32
    %add3A_161 = arith.addi %mul3A_159, %add3A_160 : i32
    %mul3A_162 = arith.constant 56 : i32
    %mul3A_163 = arith.muli %add3A_161, %mul3A_162 : i32
    %add3A_164 = arith.constant 8064 : i32
    %add3A_165 = arith.addi %mul3A_2, %add3A_164 : i32
    %dma_wait3A_166 = arith.constant 0 : i32
    %dma_wait3A_167 = tpu.memref_slice %arg4[%add3A_165, %dma_wait3A_166] : memref<262400x512xf32, #tpu.memory_space<hbm>> -> memref<56x512xf32, #tpu.memory_space<hbm>>
    %dma_wait3A_168 = arith.constant 0 : i32
    %dma_wait3A_169 = tpu.memref_slice %arg6[%mul3A_163, %dma_wait3A_168] : memref<1792x512xf32, #tpu.memory_space<vmem_shared>> -> memref<56x512xf32, #tpu.memory_space<vmem_shared>>
    tpu.wait_dma2 semaphore(%arg11 : memref<!tpu.dma_semaphore, #tpu.memory_space<semaphore_mem>>) src(%dma_wait3A_169 : memref<56x512xf32, #tpu.memory_space<vmem_shared>>) dst(%dma_wait3A_167 : memref<56x512xf32, #tpu.memory_space<hbm>>)
    %mul3A_170 = arith.constant 2 : i32
    %mul3A_171 = arith.muli %arg1, %mul3A_170 : i32
    %add3A_172 = arith.constant 0 : i32
    %add3A_173 = arith.addi %mul3A_171, %add3A_172 : i32
    %mul3A_174 = arith.constant 56 : i32
    %mul3A_175 = arith.muli %add3A_173, %mul3A_174 : i32
    "tpu.region"() ({
      %run_scoped3A = tpu.sem_alloc : memref<!tpu.dma_semaphore, #tpu.memory_space<semaphore_mem>>
      %dma_start3A_204 = arith.constant 0 : i32
      %dma_start3A_205 = arith.constant 0 : i32
      %dma_start3A_206 = tpu.memref_slice %arg7[%dma_start3A_204, %dma_start3A_205] : memref<56x512xf32, #tpu.memory_space<vmem>> -> memref<24x512xf32, #tpu.memory_space<vmem>>
      %dma_start3A_207 = arith.constant 0 : i32
      %dma_start3A_208 = tpu.memref_slice %arg6[%mul3A_175, %dma_start3A_207] : memref<1792x512xf32, #tpu.memory_space<vmem_shared>> -> memref<24x512xf32, #tpu.memory_space<vmem_shared>>
      %dma_start3A_209 = arith.constant 0 : i32
      %dma_start3A_210 = tpu.memref_slice %arg6[%mul3A_175, %dma_start3A_209] : memref<1792x512xf32, #tpu.memory_space<vmem_shared>> -> memref<24x512xf32, #tpu.memory_space<vmem_shared>>
      %dma_start3A_211 = arith.constant 0 : i32
      %dma_start3A_212 = arith.constant 0 : i32
      %dma_start3A_213 = tpu.memref_slice %arg7[%dma_start3A_211, %dma_start3A_212] : memref<56x512xf32, #tpu.memory_space<vmem>> -> memref<24x512xf32, #tpu.memory_space<vmem>>
      tpu.enqueue_dma source(%dma_start3A_213 : memref<24x512xf32, #tpu.memory_space<vmem>>) target(%dma_start3A_210 : memref<24x512xf32, #tpu.memory_space<vmem_shared>>) target_semaphore(%run_scoped3A : memref<!tpu.dma_semaphore, #tpu.memory_space<semaphore_mem>>)
      %dma_wait3A_214 = arith.constant 0 : i32
      %dma_wait3A_215 = arith.constant 0 : i32
      %dma_wait3A_216 = tpu.memref_slice %arg7[%dma_wait3A_214, %dma_wait3A_215] : memref<56x512xf32, #tpu.memory_space<vmem>> -> memref<24x512xf32, #tpu.memory_space<vmem>>
      %dma_wait3A_217 = arith.constant 0 : i32
      %dma_wait3A_218 = tpu.memref_slice %arg6[%mul3A_175, %dma_wait3A_217] : memref<1792x512xf32, #tpu.memory_space<vmem_shared>> -> memref<24x512xf32, #tpu.memory_space<vmem_shared>>
      %dma_wait3A_219 = arith.constant 0 : i32
      %dma_wait3A_220 = tpu.memref_slice %arg6[%mul3A_175, %dma_wait3A_219] : memref<1792x512xf32, #tpu.memory_space<vmem_shared>> -> memref<24x512xf32, #tpu.memory_space<vmem_shared>>
      %dma_wait3A_221 = arith.constant 0 : i32
      %dma_wait3A_222 = arith.constant 0 : i32
      %dma_wait3A_223 = tpu.memref_slice %arg7[%dma_wait3A_221, %dma_wait3A_222] : memref<56x512xf32, #tpu.memory_space<vmem>> -> memref<24x512xf32, #tpu.memory_space<vmem>>
      tpu.wait_dma2 semaphore(%run_scoped3A : memref<!tpu.dma_semaphore, #tpu.memory_space<semaphore_mem>>) src(%dma_wait3A_223 : memref<24x512xf32, #tpu.memory_space<vmem>>) dst(%dma_wait3A_220 : memref<24x512xf32, #tpu.memory_space<vmem_shared>>)
      tpu.yield
    }) : () -> ()
    %mul3A_176 = arith.constant 2 : i32
    %mul3A_177 = arith.muli %arg1, %mul3A_176 : i32
    %add3A_178 = arith.constant 0 : i32
    %add3A_179 = arith.addi %mul3A_177, %add3A_178 : i32
    %mul3A_180 = arith.constant 56 : i32
    %mul3A_181 = arith.muli %add3A_179, %mul3A_180 : i32
    %add3A_182 = arith.constant 8176 : i32
    %add3A_183 = arith.addi %mul3A_2, %add3A_182 : i32
    %dma_start3A_184 = arith.constant 0 : i32
    %dma_start3A_185 = tpu.memref_slice %arg4[%add3A_183, %dma_start3A_184] : memref<262400x512xf32, #tpu.memory_space<hbm>> -> memref<24x512xf32, #tpu.memory_space<hbm>>
    %dma_start3A_186 = arith.constant 0 : i32
    %dma_start3A_187 = tpu.memref_slice %arg6[%mul3A_181, %dma_start3A_186] : memref<1792x512xf32, #tpu.memory_space<vmem_shared>> -> memref<24x512xf32, #tpu.memory_space<vmem_shared>>
    tpu.enqueue_dma source(%dma_start3A_187 : memref<24x512xf32, #tpu.memory_space<vmem_shared>>) target(%dma_start3A_185 : memref<24x512xf32, #tpu.memory_space<hbm>>) target_semaphore(%arg11 : memref<!tpu.dma_semaphore, #tpu.memory_space<semaphore_mem>>)
    %dma_wait3A_188 = arith.constant 0 : i32
    %dma_wait3A_189 = tpu.memref_slice %arg4[%add3A_183, %dma_wait3A_188] : memref<262400x512xf32, #tpu.memory_space<hbm>> -> memref<24x512xf32, #tpu.memory_space<hbm>>
    %dma_wait3A_190 = arith.constant 0 : i32
    %dma_wait3A_191 = tpu.memref_slice %arg6[%mul3A_181, %dma_wait3A_190] : memref<1792x512xf32, #tpu.memory_space<vmem_shared>> -> memref<24x512xf32, #tpu.memory_space<vmem_shared>>
    tpu.wait_dma2 semaphore(%arg11 : memref<!tpu.dma_semaphore, #tpu.memory_space<semaphore_mem>>) src(%dma_wait3A_191 : memref<24x512xf32, #tpu.memory_space<vmem_shared>>) dst(%dma_wait3A_189 : memref<24x512xf32, #tpu.memory_space<hbm>>)
    %mul3A_192 = arith.constant 2 : i32
    %mul3A_193 = arith.muli %arg1, %mul3A_192 : i32
    %add3A_194 = arith.constant 1 : i32
    %add3A_195 = arith.addi %mul3A_193, %add3A_194 : i32
    %mul3A_196 = arith.constant 56 : i32
    %mul3A_197 = arith.muli %add3A_195, %mul3A_196 : i32
    %add3A_198 = arith.constant 8120 : i32
    %add3A_199 = arith.addi %mul3A_2, %add3A_198 : i32
    %dma_wait3A_200 = arith.constant 0 : i32
    %dma_wait3A_201 = tpu.memref_slice %arg4[%add3A_199, %dma_wait3A_200] : memref<262400x512xf32, #tpu.memory_space<hbm>> -> memref<56x512xf32, #tpu.memory_space<hbm>>
    %dma_wait3A_202 = arith.constant 0 : i32
    %dma_wait3A_203 = tpu.memref_slice %arg6[%mul3A_197, %dma_wait3A_202] : memref<1792x512xf32, #tpu.memory_space<vmem_shared>> -> memref<56x512xf32, #tpu.memory_space<vmem_shared>>
    tpu.wait_dma2 semaphore(%arg12 : memref<!tpu.dma_semaphore, #tpu.memory_space<semaphore_mem>>) src(%dma_wait3A_203 : memref<56x512xf32, #tpu.memory_space<vmem_shared>>) dst(%dma_wait3A_201 : memref<56x512xf32, #tpu.memory_space<hbm>>)
    return
  }
}

</mosaic_0001>

<sc_bundles>
// kernel: kernel.3.cloned.1.call-start
scs
__scs_entry_jumppad:
0x0: {  	(pc) =	sbr.rel $0x88, $3  }
0x1: {  	(tag) =	ssettag $0x0;
	lr =	simm.s32 $0x1  }
0x2: {  	[smem:$0x3F9F] =	sst lr;
	_ =	strace $0xD0000000  }
0x3: {  	_ = 	snop  }
0x4: {  	_ = 	snop  }
0x5: {  	_ = 	snop  }
0x6: {  	_ = 	snop  }
0x7: {  	_ = 	snop  }
__scs_overlays_trampoline_lowered:
0x8: {  	[smem:$0x3FAE] =	sst s0  }
0x9: {  	[smem:$0x3FAF] =	sst s1  }
0xa: {  	[smem:$0x3FB0] =	sst s2  }
0xb: {  	[smem:$0x3FB1] =	sst s3  }
0xc: {  	[smem:$0x3FB2] =	sst s4  }
0xd: {  	[smem:$0x3FB3] =	sst s5  }
0xe: {  	[smem:$0x3FB4] =	sst s6  }
0xf: {  	[smem:$0x3FB5] =	sst s7  }
0x10: {  	[smem:$0x3FB6] =	sst s8  }
0x11: {  	[smem:$0x3FB7] =	sst s9;
	s0 =	simm.s32 @!p0 $0x0  }
0x12: {  	s1 =	sld [smem:$0x3F9D];
	s0 =	simm.s32 @p0 $0x1  }
0x13: {  	[smem:$0x3FB8] =	sst s0;
	s0 =	simm.s32 @!p1 $0x0  }
0x14: {  	s2 =	sld [smem:$0x3F9C];
	s0 =	simm.s32 @p1 $0x1  }
0x15: {  	[smem:$0x3FB9] =	sst s0;
	s0 =	simm.s32 @!p2 $0x0  }
0x16: {  	s3 =	sld [smem:$0x3FDB];
	s0 =	simm.s32 @p2 $0x1  }
0x17: {  	s4 =	simm.s32 $0x1BF5;
	[smem:$0x3FBB] =	sst s0  }
0x18: {  	s0 =	sld [smem:$0x3F9E];
	_ =	swait.ge [sflag:s4], $0x0  }
0x19: {  	s7 =	sld [smem:$0x3F9F]  }
0x1a: {  	s8 =	sadd.s32 $0xFFFFE003, lr  }
0x1b: {  	s9 =	sadd.s32 $0xFFFFFEF7, lr;
	s5 =	simm.s32 $0xFFFFFFFF;
	p2 =	slt.u32 s8, $0xFFFFF086  }
0x1c: {  	p1 =	slt.u32 s9, $0xF7A;
	s5 =	simm.s32 @!p2 $0x0  }
0x1d: {  	s5 =	simm.s32 @p1 $0x1;
	p0 =	seq.s32 s7, s2  }
0x1e: {  	s7 =	smul.u32 @!p0 $0xF7A, s2;
	p2 =	seq.s32 @!p0 s5, $0x0  }
0x1f: {  	s9 =	smul.u32 $0xF7A, s1;
	s8 =	simm.s32 @!p0 $0x1BF5;
	p2 =	por !p2, p0  }
0x20: {  	[sflag:s8] =	ssyncset.s32 @!p0 $0xFFFFF086;
	s6 =	sadd.s32 @!p0 s3, s7;
	s7 =	simm.s32 @!p0 $0x108  }
0x21: {  	s3 =	sadd.s32 s3, s9;
	s6 =	sadd.s32 @!p0 $0x88, s6;
	s7 =	simm.s32 @p2 $0x1082  }
0x22: {  	[simem:s7], [sflag:s8] =	dma.local @!p0 [hbm:s6], $0xF7A  }
0x23: {  	s9 =	sor.u32 $0xD0000000, s2;
	s6 =	simm.s32 $0x108;
	_ =	swait.ge @!p0 [sflag:s8], $0x0  }
0x24: {  	s3 =	sadd.s32 $0x88, s3;
	s6 =	simm.s32 @!p1 $0x1082;
	[sflag:s4] =	ssyncset.s32 $0xFFFFF086  }
0x25: {  	[simem:s6], [sflag:s4] =	dma.local [hbm:s3], $0xF7A  }
0x26: {  	[smem:$0x3F9F] =	sst s1;
	(tag) =	ssettag s2;
	_ =	strace s9  }
0x27: {  	s1 =	sld [smem:$0x3FAF]  }
0x28: {  	s2 =	sld [smem:$0x3FB0]  }
0x29: {  	s4 =	sld [smem:$0x3FB2]  }
0x2a: {  	p0 =	seq.s32 s5, $0x0;
	s5 =	sld [smem:$0x3FB3]  }
0x2b: {  	s6 =	sld [smem:$0x3FB4]  }
0x2c: {  	s7 =	sld [smem:$0x3FB5]  }
0x2d: {  	s3 =	simm.s32 $0x108;
	s8 =	sld [smem:$0x3FB6]  }
0x2e: {  	s3 =	simm.s32 @!p0 $0x1082;
	s9 =	sld [smem:$0x3FB7]  }
0x2f: {  	lr =	sadd.s32 s0, s3;
	s0 =	sld [smem:$0x3FAE]  }
0x30: {  	s3 =	sld [smem:$0x3FB1]  }
0x31: {  	[smem:$0x3FBA] =	sst s10  }
0x32: {  	s10 =	sld [smem:$0x3FB8];
	_ =	sdelay $0x3  }
0x33: {  	p0 =	seq.s32 s10, $0x1;
	s10 =	sld [smem:$0x3FBA];
	_ =	sdelay $0x3  }
0x34: {  	[smem:$0x3FBA] =	sst s10  }
0x35: {  	s10 =	sld [smem:$0x3FB9];
	_ =	sdelay $0x3  }
0x36: {  	p1 =	seq.s32 s10, $0x1;
	s10 =	sld [smem:$0x3FBA];
	_ =	sdelay $0x3  }
0x37: {  	[smem:$0x3FBA] =	sst s10  }
0x38: {  	s10 =	sld [smem:$0x3FBB]  }
0x39: {  	_ = 	snop;
	(pc) =	sbr.ind lr, $3  }
0x3a: {  	_ = 	snop  }
0x3b: {  	_ = 	snop  }
0x3c: {  	p2 =	seq.s32 s10, $0x1;
	s10 =	sld [smem:$0x3FBA]  }
0x3d: {  	_ =	shalt  }
0x3e: {  	_ =	shalt  }
0x3f: {  	_ =	shalt  }
0x40: {  	_ =	shalt  }
0x41: {  	_ =	shalt  }
0x42: {  	_ =	shalt  }
0x43: {  	_ =	shalt  }
0x44: {  	_ =	shalt  }
0x45: {  	_ =	shalt  }
0x46: {  	_ =	shalt  }
0x47: {  	_ =	shalt  }
0x48: {  	_ =	shalt  }
0x49: {  	_ =	shalt  }
0x4a: {  	_ =	shalt  }
0x4b: {  	_ =	shalt  }
0x4c: {  	_ =	shalt  }
0x4d: {  	_ =	shalt  }
0x4e: {  	_ =	shalt  }
0x4f: {  	_ =	shalt  }
0x50: {  	_ =	shalt  }
0x51: {  	_ =	shalt  }
0x52: {  	_ =	shalt  }
0x53: {  	_ =	shalt  }
0x54: {  	_ =	shalt  }
0x55: {  	_ =	shalt  }
0x56: {  	_ =	shalt  }
0x57: {  	_ =	shalt  }
0x58: {  	_ =	shalt  }
0x59: {  	_ =	shalt  }
0x5a: {  	_ =	shalt  }
0x5b: {  	_ =	shalt  }
0x5c: {  	_ =	shalt  }
0x5d: {  	_ =	shalt  }
0x5e: {  	_ =	shalt  }
0x5f: {  	_ =	shalt  }
0x60: {  	_ =	shalt  }
0x61: {  	_ =	shalt  }
0x62: {  	_ =	shalt  }
0x63: {  	_ =	shalt  }
0x64: {  	_ =	shalt  }
0x65: {  	_ =	shalt  }
0x66: {  	_ =	shalt  }
0x67: {  	_ =	shalt  }
0x68: {  	_ =	shalt  }
0x69: {  	_ =	shalt  }
0x6a: {  	_ =	shalt  }
0x6b: {  	_ =	shalt  }
0x6c: {  	_ =	shalt  }
0x6d: {  	_ =	shalt  }
0x6e: {  	_ =	shalt  }
0x6f: {  	_ =	shalt  }
0x70: {  	_ =	shalt  }
0x71: {  	_ =	shalt  }
0x72: {  	_ =	shalt  }
0x73: {  	_ =	shalt  }
0x74: {  	_ =	shalt  }
0x75: {  	_ =	shalt  }
0x76: {  	_ =	shalt  }
0x77: {  	_ =	shalt  }
0x78: {  	_ =	shalt  }
0x79: {  	_ =	shalt  }
0x7a: {  	_ =	shalt  }
0x7b: {  	_ =	shalt  }
0x7c: {  	_ =	shalt  }
0x7d: {  	_ =	shalt  }
0x7e: {  	_ =	shalt  }
0x7f: {  	_ =	shalt  }
0x80: {  	_ =	shalt  }
0x81: {  	_ =	shalt  }
0x82: {  	_ =	shalt  }
0x83: {  	_ =	shalt  }
0x84: {  	_ =	shalt  }
0x85: {  	_ =	shalt  }
0x86: {  	_ =	shalt  }
0x87: {  	_ =	shalt  }
.Lfunc_end0:
.L_simem_size_0:
called_computation.1_lowered:
.L_overlay_start_0:
0x88: {  	s2 =	sld [smem:$0x3FD9]  }
0x89: {  	s3 =	sld [smem:$0x3FFE];
	_ =	sdelay $0x1  }
0x8a: {  	s1 =	srdreg.scid  }
0x8b: {  	s0 =	sand.u32 $0x1, s1  }
0x8c: {  	s17 =	sshll.u32 s0, $0xA;
	s2 =	sadd.s32 s3, s2  }
0x8d: {  	s2 =	sadd.s32 s2, s17  }
0x8e: {  	[smem:$0x3FC6] =	sst s2  }
0x8f: {  	_ = 	snop  }
0x90: {  	s2 =	sld [smem:$0x3FC8]  }
0x91: {  	s18 =	sld [smem:$0x3FD0];
	(tm) =	ssettm $0x1  }
0x92: {  	s4 =	sld [smem:$0x3FFB];
	_ =	sdelay $0x3  }
0x93: {  	_ =	strace s4  }
0x94: {  	s4 =	sld [smem:$0x3FFC];
	_ =	sdelay $0x3  }
0x95: {  	_ =	strace s4  }
0x96: {  	s4 =	sld [smem:$0x3FFD];
	_ =	sdelay $0x3  }
0x97: {  	_ =	strace s4  }
0x98: {  	_ =	strace $0x8FFFFFFF  }
0x99: {  	s19 =	sld [smem:$0x3FDB];
	_ =	sdelay $0x1  }
0x9a: {  	s5 =	simm.s32 $_scs_section_size  }
0x9b: {  	s6 =	simm.s32 $_size__tile_overlayer_lowered;
	s7 =	simm.s32 $_tile_overlayer_lowered  }
0x9c: {  	s22 =	simm.s32 $0x1BFF;
	s21 =	sshll.u32 s7, $0x1;
	s4 =	sadd.s32 s5, s19  }
0x9d: {  	s8 =	simm.s32 $0x0;
	s20 =	sshll.u32 s6, $0x1;
	s6 =	sadd.s32 s21, s4  }
0x9e: {  	[timem:s8], [sflag:s22] =	dma.local [hbm:s6], s20  }
0x9f: {  	_ =	swait.ge [sflag:s22], s20  }
0xa0: {  	s5 =	ssub.s32 $0x0, s20;
	[sflag:s22] =	ssyncset.done $0x0  }
0xa1: {  	[sflag:s22] =	ssyncadd.s32 s5;
	_ =	sdelay $0x1  }
0xa2: {  	s23 =	simm.s32 $0x1B8B  }
0xa3: {  	_ =	swait.ge [sflag:s23], $0x1  }
0xa4: {  	[sflag:s23] =	ssyncset.done $0x0  }
0xa5: {  	s25 =	simm.s32 $0x1B8E;
	s24 =	sld [smem:$0x3FFE];
	[sflag:s23] =	ssyncadd.s32 $0xFFFFFFFF  }
0xa6: {  	s26 =	simm.s32 $execute0_lowered;
	[smem:$0x3FD2] =	sst s25  }
0xa7: {  	s6 =	sshll.u32 s26, $0x1;
	_ =	strace $0x80000046;
	[dreg:$0x1] =	wrdreg $0xFFFFFFFF  }
0xa8: {  	s28 =	simm.s32 $_size_execute0_lowered;
	s4 =	sadd.s32 s4, s6;
	[dreg:$0x0] =	wrdreg $0x0  }
0xa9: {  	s6 =	sshll.u32 s28, $0x1;
	[dreg:$0x2] =	wrdreg s4  }
0xaa: {  	[dreg:$0x3] =	wrdreg s6  }
0xab: {  	[dreg:$0x4] =	wrdreg $0xC0  }
0xac: {  	_ =	task [dreg:s8], $0x5FFFF  }
0xad: {  	[dreg:$0x1] =	wrdreg $0xFFFFFFFF  }
0xae: {  	[dreg:$0x0] =	wrdreg $0x60  }
0xaf: {  	[dreg:$0x2] =	wrdreg s2  }
0xb0: {  	[dreg:$0x3] =	wrdreg s24  }
0xb1: {  	[dreg:$0x4] =	wrdreg s18  }
0xb2: {  	[dreg:$0x5] =	wrdreg $0x20800  }
0xb3: {  	[dreg:$0x6] =	wrdreg $0x9  }
0xb4: {  	_ =	task.clear_ibuf [dreg:s8], $0x7FFFF;
	_ =	strace $0x90000046  }
0xb5: {  	s29 =	simm.s32 $0x9;
	_ =	strace $0x80000048  }
0xb6: {  	_ =	swait.ge [sflag:s29], $0x1  }
0xb7: {  	[sflag:s29] =	ssyncadd.s32 $0xFFFFFFFF  }
0xb8: {  	_ =	strace $0x90000048  }
0xb9: {  	_ =	sfence  }
0xba: {  	s30 =	sld [smem:$0x0];
	_ =	sdelay $0x2  }
0xbb: {  	s31 =	sshll.u32 s1, $0xD;
	s1 =	sshrl.u32 s1, $0x2  }
0xbc: {  	s3 =	sand.u32 $0x4000, s31;
	s1 =	sadd.s32 s1, s30  }
0xbd: {  	s0 =	sor.u32 s3, s0;
	s1 =	sshll.u32 s1, $0x11  }
0xbe: {  	s0 =	sor.u32 s1, s0  }
0xbf: {  	s0 =	sadd.s32 $0x8F2B, s0  }
0xc0: {  	[sflag:s0] =	ssyncadd.remote.s32 $0x1  }
0xc1: {  	_ =	sfence.sel $0xFFFF  }
0xc2: {  	[dreg:$0x0] =	wrdreg $0xFFFFFFFF;
	(pc) =	sbr.abs _section_cstart, $3  }
0xc3: {  	[dreg:$0x1] =	wrdreg $0xFFFFFFFF  }
0xc4: {  	_ =	task.clear_ibuf [dreg:s8], $0x2FFFF;
	_ =	strace $0x9FFFFFFF  }
0xc5: {  	(tm) =	ssettm $0x7FFFFFFF  }
tec
execute0_lowered:
.L_overlay_start_1:
0x0: {  	(tag) =	ssettag $0x1  }
0x1: {  	s1 =	rddreg [dreg:$0x0]  }
0x2: {  	s0 =	rddreg [dreg:$0x1]  }
0x3: {  	s2 =	rddreg [dreg:$0x2]  }
0x4: {  	s3 =	srdreg.scid;
	s12 =	stileid.u32  }
0x5: {  	s4 =	rddreg [dreg:$0x3];
	s14 =	simm.s32 $0x5;
	s13 =	simm.s32 $0x16880  }
0x6: {  	s16 =	simm.s32 $0x17880;
	s29 =	simm.s32 $0x1A080;
	s28 =	simm.s32 $0x4  }
0x7: {  	s7 =	sand.u32 $0x1, s3;
	s5 =	sshll.u32 s12, $0x1;
	s9 =	smul.u32 $0x38000, s12  }
0x8: {  	s3 =	simm.s32 $0x0;
	s22 =	smul.u32 $0x100400, s12;
	s5 =	sor.u32 s7, s5  }
0x9: {  	[smem:$0x7FF] =	sst s3;
	s8 =	ssub.s32 $0x2, s7;
	s7 =	smul.u32 $0x80200, s7  }
0xa: {  	s12 =	simm.s32 $0x16080;
	s6 =	smul.u32 $0x2008, s5;
	_ =	strace $0x80000047  }
0xb: {  	s17 =	sshrl.u32 s8, $0x1;
	s10 =	smul.u32 $0x80200, s5;
	s18 =	sshrl.u32 s9, $0x2  }
0xc: {  	s19 =	smul.u32 $0x401000, s5;
	s5 =	sadd.s32 $0x100, s1;
	s9 =	simm.s32 $0x14880  }
0xd: {  	s11 =	ssub.s32 s8, s17;
	s17 =	simm.s32 $0x0;
	s6 =	sshrl.u32 s6, $0x3  }
0xe: {  	s20 =	sadd.s32 s2, s10;
	s21 =	sshrl.u32 s19, $0x3;
	s31 =	smax.u32 s11, $0x1  }
0xf: {  	s10 =	simm.s32 $0x15080;
	s11 =	simm.s32 $0x15880;
	[dreg:$0x7] =	wrdreg s20  }
0x10: {  	s0 =	sadd.s32 s6, s0;
	s6 =	sadd.s32 s18, s4;
	[dreg:$0xc] =	wrdreg s31  }
0x11: {  	s4 =	simm.s32 $0x13880;
	s0 =	sadd.s32 $0x800, s0;
	[dreg:$0xf] =	wrdreg s6  }
0x12: {  	s23 =	sadd.s32 $0x7000, s6;
	[dreg:$0x6] =	wrdreg s0;
	s0 =	sadd.s32 s2, s21  }
0x13: {  	s20 =	simm.s32 $0x18080;
	[dreg:$0xe] =	wrdreg s23;
	s24 =	sadd.s32 $0xE00, s0  }
0x14: {  	s2 =	sadd.s32 s22, s2;
	s25 =	sadd.s32 $0x7E000, s0;
	[dreg:$0x8] =	wrdreg s24  }
0x15: {  	s21 =	simm.s32 $0x18880;
	s26 =	sadd.s32 $0x7EE00, s0;
	[dreg:$0x9] =	wrdreg s25  }
0x16: {  	s22 =	simm.s32 $0x19080;
	s0 =	sadd.s32 $0x7FC00, s0;
	[dreg:$0xa] =	wrdreg s26  }
0x17: {  	v2 =	vlaneseq.u32;
	s23 =	simm.s32 $0x19880;
	s30 =	sadd.s32 s7, s2;
	[dreg:$0xb] =	wrdreg s0  }
0x18: {  	vm0 =	vmmov $0xffff;
	v1 =	vshrl.u32 v2, $0x3;
	s2 =	simm.s32 $0x13080;
	s7 =	simm.s32 $0x14080;
	[dreg:$0x5] =	wrdreg s30  }
0x19: {  	v0 =	vand.u32 $0x7, v2;
	v2 =	vor.u32 $0x8, v2;
	v1 =	vmul.u32 $0x8, v1;
	s24 =	simm.s32 $0x1;
	s25 =	simm.s32 $0x2;
	s26 =	simm.s32 $0x3  }
.LBB2_1:
0x1a: {  	[dreg:$0xd] =	wrdreg s17  }
0x1b: {  	s0 =	rddreg [dreg:$0x6]  }
0x1c: {  	[tilespmem:s3], [sflag:$0x5] =	stream.linear.gather [hbm4b:s0+s3], $0x2008, $0x38;
	[tilespmem:$0x1E080] =	vst v63  }
0x1d: {  	_ =	swait.ge [sflag:s14], $0x2008  }
0x1e: {  	[sflag:s14] =	ssyncset.done $0x0  }
0x1f: {  	[sflag:s14] =	ssyncadd.s32 $0xFFFFDFF8  }
0x20: {  	v3 =	vld [tilespmem:$0x0];
	_ =	sdelay $0x4  }
0x21: {  	v4 =	vshll.u32 v3, $0x2  }
0x22: {  	v3 =	vand.u32 $0x7, v3;
	v4 =	vand.u32 $0xFFFFFFE0, v4  }
0x23: {  	v3 =	vor.u32 v3, v4  }
0x24: {  	v4 =	vperm.xlane v3, v0;
	_ =	sdelay $0x1  }
0x25: {  	v4 =	vadd.s32 v1, v4;
	_ =	sdelay $0x1  }
0x26: {  	v3 =	vperm.xlane v3, v2;
	_ =	sdelay $0x1  }
0x27: {  	s15 =	simm.s32 $0x10080;
	v3 =	vadd.s32 v1, v3  }
0x28: {  	[tilespmem:s15], [sflag:$0x1] =	stream.indirect_vreg.gather [hbm4b:s1+s3], $0x80, v4, vm0, $0xb8;
	[tilespmem:$0x1E080] =	vst v63  }
0x29: {  	s17 =	simm.s32 $0x10880  }
0x2a: {  	[tilespmem:s17], [sflag:$0x1] =	stream.indirect_vreg.gather [hbm4b:s5+s3], $0x80, v4, vm0, $0xb8;
	[tilespmem:$0x1E080] =	vst v63  }
0x2b: {  	s18 =	simm.s32 $0x11080  }
0x2c: {  	[tilespmem:s18], [sflag:$0x1] =	stream.indirect_vreg.gather [hbm4b:s1+s3], $0x80, v3, vm0, $0xb8;
	[tilespmem:$0x1E080] =	vst v63  }
0x2d: {  	s19 =	simm.s32 $0x11880  }
0x2e: {  	[tilespmem:s19], [sflag:$0x1] =	stream.indirect_vreg.gather [hbm4b:s5+s3], $0x80, v3, vm0, $0xb8;
	[tilespmem:$0x1E080] =	vst v63  }
0x2f: {  	v3 =	vld [tilespmem:$0x10];
	_ =	sdelay $0x4  }
0x30: {  	v49 =	vshll.u32 v3, $0x2  }
0x31: {  	v3 =	vand.u32 $0x7, v3;
	v4 =	vand.u32 $0xFFFFFFE0, v49  }
0x32: {  	v3 =	vor.u32 v3, v4  }
0x33: {  	v4 =	vperm.xlane v3, v0;
	_ =	sdelay $0x1  }
0x34: {  	v4 =	vadd.s32 v1, v4;
	_ =	sdelay $0x1  }
0x35: {  	v3 =	vperm.xlane v3, v2;
	_ =	sdelay $0x1  }
0x36: {  	s31 =	simm.s32 $0x12080;
	v3 =	vadd.s32 v1, v3  }
0x37: {  	[tilespmem:s31], [sflag:$0x1] =	stream.indirect_vreg.gather [hbm4b:s1+s3], $0x80, v4, vm0, $0xb8;
	[tilespmem:$0x1E080] =	vst v63  }
0x38: {  	s8 =	simm.s32 $0x12880  }
0x39: {  	[tilespmem:s8], [sflag:$0x1] =	stream.indirect_vreg.gather [hbm4b:s5+s3], $0x80, v4, vm0, $0xb8;
	[tilespmem:$0x1E080] =	vst v63  }
0x3a: {  	_ = 	snop  }
0x3b: {  	[tilespmem:s2], [sflag:$0x1] =	stream.indirect_vreg.gather [hbm4b:s1+s3], $0x80, v3, vm0, $0xb8;
	[tilespmem:$0x1E080] =	vst v63  }
0x3c: {  	_ = 	snop  }
0x3d: {  	[tilespmem:s4], [sflag:$0x1] =	stream.indirect_vreg.gather [hbm4b:s5+s3], $0x80, v3, vm0, $0xb8;
	[tilespmem:$0x1E080] =	vst v63  }
0x3e: {  	v3 =	vld [tilespmem:$0x20];
	_ =	sdelay $0x4  }
0x3f: {  	v50 =	vshll.u32 v3, $0x2  }
0x40: {  	v3 =	vand.u32 $0x7, v3;
	v4 =	vand.u32 $0xFFFFFFE0, v50  }
0x41: {  	v3 =	vor.u32 v3, v4  }
0x42: {  	v4 =	vperm.xlane v3, v0;
	_ =	sdelay $0x1  }
0x43: {  	v4 =	vadd.s32 v1, v4;
	_ =	sdelay $0x1  }
0x44: {  	v3 =	vperm.xlane v3, v2;
	_ =	sdelay $0x1  }
0x45: {  	v3 =	vadd.s32 v1, v3  }
0x46: {  	[tilespmem:s7], [sflag:$0x1] =	stream.indirect_vreg.gather [hbm4b:s1+s3], $0x80, v4, vm0, $0xb8;
	[tilespmem:$0x1E080] =	vst v63  }
0x47: {  	_ = 	snop  }
0x48: {  	[tilespmem:s9], [sflag:$0x1] =	stream.indirect_vreg.gather [hbm4b:s5+s3], $0x80, v4, vm0, $0xb8;
	[tilespmem:$0x1E080] =	vst v63  }
0x49: {  	_ = 	snop  }
0x4a: {  	[tilespmem:s10], [sflag:$0x1] =	stream.indirect_vreg.gather [hbm4b:s1+s3], $0x80, v3, vm0, $0xb8;
	[tilespmem:$0x1E080] =	vst v63  }
0x4b: {  	_ = 	snop  }
0x4c: {  	[tilespmem:s11], [sflag:$0x1] =	stream.indirect_vreg.gather [hbm4b:s5+s3], $0x80, v3, vm0, $0xb8;
	[tilespmem:$0x1E080] =	vst v63  }
0x4d: {  	v3 =	vld.msk [tilespmem:$0x30], $0xff;
	_ =	sdelay $0x4  }
0x4e: {  	v51 =	vshll.u32 v3, $0x2  }
0x4f: {  	v3 =	vand.u32 $0x7, v3;
	v4 =	vand.u32 $0xFFFFFFE0, v51  }
0x50: {  	v3 =	vor.u32 v3, v4  }
0x51: {  	v3 =	vperm.xlane v3, v0;
	_ =	sdelay $0x1  }
0x52: {  	v3 =	vadd.s32 v1, v3;
	_ =	sdelay $0x4  }
0x53: {  	[tilespmem:s12], [sflag:$0x1] =	stream.indirect_vreg.gather [hbm4b:s1+s3], $0x80, v3, vm0, $0xb8;
	[tilespmem:$0x1E080] =	vst v63  }
0x54: {  	_ = 	snop  }
0x55: {  	[tilespmem:s13], [sflag:$0x1] =	stream.indirect_vreg.gather [hbm4b:s5+s3], $0x80, v3, vm0, $0xb8;
	[tilespmem:$0x1E080] =	vst v63  }
0x56: {  	v3 =	vld [tilespmem:$0x38];
	_ =	sdelay $0x4  }
0x57: {  	v52 =	vshll.u32 v3, $0x2  }
0x58: {  	v3 =	vand.u32 $0x7, v3;
	v4 =	vand.u32 $0xFFFFFFE0, v52  }
0x59: {  	v3 =	vor.u32 v3, v4  }
0x5a: {  	v4 =	vperm.xlane v3, v0;
	_ =	sdelay $0x1  }
0x5b: {  	v4 =	vadd.s32 v1, v4;
	_ =	sdelay $0x1  }
0x5c: {  	v3 =	vperm.xlane v3, v2;
	_ =	sdelay $0x1  }
0x5d: {  	s30 =	simm.s32 $0x17080;
	v3 =	vadd.s32 v1, v3  }
0x5e: {  	[tilespmem:s30], [sflag:$0x2] =	stream.indirect_vreg.gather [hbm4b:s1+s3], $0x80, v4, vm0, $0xb8;
	[tilespmem:$0x1E080] =	vst v63  }
0x5f: {  	_ = 	snop  }
0x60: {  	[tilespmem:s16], [sflag:$0x2] =	stream.indirect_vreg.gather [hbm4b:s5+s3], $0x80, v4, vm0, $0xb8;
	[tilespmem:$0x1E080] =	vst v63  }
0x61: {  	_ = 	snop  }
0x62: {  	[tilespmem:s20], [sflag:$0x2] =	stream.indirect_vreg.gather [hbm4b:s1+s3], $0x80, v3, vm0, $0xb8;
	[tilespmem:$0x1E080] =	vst v63  }
0x63: {  	_ = 	snop  }
0x64: {  	[tilespmem:s21], [sflag:$0x2] =	stream.indirect_vreg.gather [hbm4b:s5+s3], $0x80, v3, vm0, $0xb8;
	[tilespmem:$0x1E080] =	vst v63  }
0x65: {  	v3 =	vld [tilespmem:$0x48];
	_ =	sdelay $0x4  }
0x66: {  	v53 =	vshll.u32 v3, $0x2  }
0x67: {  	v3 =	vand.u32 $0x7, v3;
	v4 =	vand.u32 $0xFFFFFFE0, v53  }
0x68: {  	v3 =	vor.u32 v3, v4  }
0x69: {  	v4 =	vperm.xlane v3, v0;
	_ =	sdelay $0x1  }
0x6a: {  	v4 =	vadd.s32 v1, v4;
	_ =	sdelay $0x1  }
0x6b: {  	v3 =	vperm.xlane v3, v2;
	_ =	sdelay $0x1  }
0x6c: {  	v3 =	vadd.s32 v1, v3  }
0x6d: {  	[tilespmem:s22], [sflag:$0x2] =	stream.indirect_vreg.gather [hbm4b:s1+s3], $0x80, v4, vm0, $0xb8;
	[tilespmem:$0x1E080] =	vst v63  }
0x6e: {  	_ = 	snop  }
0x6f: {  	[tilespmem:s23], [sflag:$0x2] =	stream.indirect_vreg.gather [hbm4b:s5+s3], $0x80, v4, vm0, $0xb8;
	[tilespmem:$0x1E080] =	vst v63  }
0x70: {  	_ = 	snop  }
0x71: {  	[tilespmem:s29], [sflag:$0x2] =	stream.indirect_vreg.gather [hbm4b:s1+s3], $0x80, v3, vm0, $0xb8;
	[tilespmem:$0x1E080] =	vst v63  }
0x72: {  	s20 =	simm.s32 $0x1A880  }
0x73: {  	[tilespmem:s20], [sflag:$0x2] =	stream.indirect_vreg.gather [hbm4b:s5+s3], $0x80, v3, vm0, $0xb8;
	[tilespmem:$0x1E080] =	vst v63  }
0x74: {  	v3 =	vld [tilespmem:$0x58];
	_ =	sdelay $0x4  }
0x75: {  	v54 =	vshll.u32 v3, $0x2  }
0x76: {  	v3 =	vand.u32 $0x7, v3;
	v4 =	vand.u32 $0xFFFFFFE0, v54  }
0x77: {  	v3 =	vor.u32 v3, v4  }
0x78: {  	v4 =	vperm.xlane v3, v0;
	_ =	sdelay $0x1  }
0x79: {  	v4 =	vadd.s32 v1, v4;
	_ =	sdelay $0x1  }
0x7a: {  	v3 =	vperm.xlane v3, v2;
	_ =	sdelay $0x1  }
0x7b: {  	s12 =	simm.s32 $0x1B080;
	v3 =	vadd.s32 v1, v3  }
0x7c: {  	[tilespmem:s12], [sflag:$0x2] =	stream.indirect_vreg.gather [hbm4b:s1+s3], $0x80, v4, vm0, $0xb8;
	[tilespmem:$0x1E080] =	vst v63  }
0x7d: {  	s13 =	simm.s32 $0x1B880  }
0x7e: {  	[tilespmem:s13], [sflag:$0x2] =	stream.indirect_vreg.gather [hbm4b:s5+s3], $0x80, v4, vm0, $0xb8;
	[tilespmem:$0x1E080] =	vst v63  }
0x7f: {  	s16 =	simm.s32 $0x1C080  }
0x80: {  	[tilespmem:s16], [sflag:$0x2] =	stream.indirect_vreg.gather [hbm4b:s1+s3], $0x80, v3, vm0, $0xb8;
	[tilespmem:$0x1E080] =	vst v63  }
0x81: {  	s21 =	simm.s32 $0x1C880  }
0x82: {  	[tilespmem:s21], [sflag:$0x2] =	stream.indirect_vreg.gather [hbm4b:s5+s3], $0x80, v3, vm0, $0xb8;
	[tilespmem:$0x1E080] =	vst v63  }
0x83: {  	v3 =	vld.msk [tilespmem:$0x68], $0xff;
	_ =	sdelay $0x4  }
0x84: {  	v55 =	vshll.u32 v3, $0x2  }
0x85: {  	v3 =	vand.u32 $0x7, v3;
	v4 =	vand.u32 $0xFFFFFFE0, v55  }
0x86: {  	v3 =	vor.u32 v3, v4  }
0x87: {  	v3 =	vperm.xlane v3, v0;
	_ =	sdelay $0x1  }
0x88: {  	v3 =	vadd.s32 v1, v3;
	_ =	sdelay $0x3  }
0x89: {  	s22 =	simm.s32 $0x1D080  }
0x8a: {  	[tilespmem:s22], [sflag:$0x2] =	stream.indirect_vreg.gather [hbm4b:s1+s3], $0x80, v3, vm0, $0xb8;
	[tilespmem:$0x1E080] =	vst v63  }
0x8b: {  	s23 =	simm.s32 $0x1D880  }
0x8c: {  	[tilespmem:s23], [sflag:$0x2] =	stream.indirect_vreg.gather [hbm4b:s5+s3], $0x80, v3, vm0, $0xb8;
	[tilespmem:$0x1E080] =	vst v63  }
0x8d: {  	_ =	swait.ge [sflag:s24], $0x7000  }
0x8e: {  	[sflag:s24] =	ssyncset.done $0x0  }
0x8f: {  	s2 =	stileid.u32;
	s6 =	rddreg [dreg:$0xf];
	[sflag:s24] =	ssyncadd.s32 $0xFFFF9000  }
0x90: {  	[spmem:s6] =	stream.linear.scatter [tilespmem:s15], [sflag:$0x5], $0x7000, $0x38;
	[tilespmem:$0x1E080] =	vst v63  }
0x91: {  	s2 =	sshll.u32 s2, $0x6;
	_ =	swait.ge [sflag:s14], $0x7000  }
0x92: {  	s29 =	sor.u32 $0x1C03, s2;
	[sflag:s14] =	ssyncset.done $0x0  }
0x93: {  	s16 =	sshrl.u32 s6, $0x3;
	s6 =	rddreg [dreg:$0x7];
	[sflag:s14] =	ssyncadd.s32 $0xFFFF9000  }
0x94: {  	[hbm:s6], [sflag:s29] =	dma.local [spmem:s16], $0xE00  }
0x95: {  	v3 =	vld [tilespmem:$0x70];
	_ =	sdelay $0x4  }
0x96: {  	v56 =	vshll.u32 v3, $0x2  }
0x97: {  	v3 =	vand.u32 $0x7, v3;
	v4 =	vand.u32 $0xFFFFFFE0, v56  }
0x98: {  	v3 =	vor.u32 v3, v4  }
0x99: {  	v4 =	vperm.xlane v3, v0;
	_ =	sdelay $0x1  }
0x9a: {  	v4 =	vadd.s32 v1, v4;
	_ =	sdelay $0x1  }
0x9b: {  	v3 =	vperm.xlane v3, v2;
	_ =	sdelay $0x1  }
0x9c: {  	v3 =	vadd.s32 v1, v3  }
0x9d: {  	[tilespmem:s15], [sflag:$0x1] =	stream.indirect_vreg.gather [hbm4b:s1+s3], $0x80, v4, vm0, $0xb8;
	[tilespmem:$0x1E080] =	vst v63  }
0x9e: {  	_ = 	snop  }
0x9f: {  	[tilespmem:s17], [sflag:$0x1] =	stream.indirect_vreg.gather [hbm4b:s5+s3], $0x80, v4, vm0, $0xb8;
	[tilespmem:$0x1E080] =	vst v63  }
0xa0: {  	_ = 	snop  }
0xa1: {  	[tilespmem:s18], [sflag:$0x1] =	stream.indirect_vreg.gather [hbm4b:s1+s3], $0x80, v3, vm0, $0xb8;
	[tilespmem:$0x1E080] =	vst v63  }
0xa2: {  	_ = 	snop  }
0xa3: {  	[tilespmem:s19], [sflag:$0x1] =	stream.indirect_vreg.gather [hbm4b:s5+s3], $0x80, v3, vm0, $0xb8;
	[tilespmem:$0x1E080] =	vst v63  }
0xa4: {  	v3 =	vld [tilespmem:$0x80];
	_ =	sdelay $0x4  }
0xa5: {  	v57 =	vshll.u32 v3, $0x2  }
0xa6: {  	v3 =	vand.u32 $0x7, v3;
	v4 =	vand.u32 $0xFFFFFFE0, v57  }
0xa7: {  	v3 =	vor.u32 v3, v4  }
0xa8: {  	v4 =	vperm.xlane v3, v0;
	_ =	sdelay $0x1  }
0xa9: {  	v4 =	vadd.s32 v1, v4;
	_ =	sdelay $0x1  }
0xaa: {  	v3 =	vperm.xlane v3, v2;
	_ =	sdelay $0x1  }
0xab: {  	v3 =	vadd.s32 v1, v3  }
0xac: {  	[tilespmem:s31], [sflag:$0x1] =	stream.indirect_vreg.gather [hbm4b:s1+s3], $0x80, v4, vm0, $0xb8;
	[tilespmem:$0x1E080] =	vst v63  }
0xad: {  	s22 =	simm.s32 $0x12880  }
0xae: {  	[tilespmem:s22], [sflag:$0x1] =	stream.indirect_vreg.gather [hbm4b:s5+s3], $0x80, v4, vm0, $0xb8;
	[tilespmem:$0x1E080] =	vst v63  }
0xaf: {  	s9 =	simm.s32 $0x13080  }
0xb0: {  	[tilespmem:s9], [sflag:$0x1] =	stream.indirect_vreg.gather [hbm4b:s1+s3], $0x80, v3, vm0, $0xb8;
	[tilespmem:$0x1E080] =	vst v63  }
0xb1: {  	s10 =	simm.s32 $0x13880  }
0xb2: {  	[tilespmem:s10], [sflag:$0x1] =	stream.indirect_vreg.gather [hbm4b:s5+s3], $0x80, v3, vm0, $0xb8;
	[tilespmem:$0x1E080] =	vst v63  }
0xb3: {  	v3 =	vld [tilespmem:$0x90];
	_ =	sdelay $0x4  }
0xb4: {  	v58 =	vshll.u32 v3, $0x2  }
0xb5: {  	v3 =	vand.u32 $0x7, v3;
	v4 =	vand.u32 $0xFFFFFFE0, v58  }
0xb6: {  	v3 =	vor.u32 v3, v4  }
0xb7: {  	v4 =	vperm.xlane v3, v0;
	_ =	sdelay $0x1  }
0xb8: {  	v4 =	vadd.s32 v1, v4;
	_ =	sdelay $0x1  }
0xb9: {  	v3 =	vperm.xlane v3, v2;
	_ =	sdelay $0x1  }
0xba: {  	s15 =	simm.s32 $0x14080;
	v3 =	vadd.s32 v1, v3  }
0xbb: {  	[tilespmem:s15], [sflag:$0x1] =	stream.indirect_vreg.gather [hbm4b:s1+s3], $0x80, v4, vm0, $0xb8;
	[tilespmem:$0x1E080] =	vst v63  }
0xbc: {  	s17 =	simm.s32 $0x14880  }
0xbd: {  	[tilespmem:s17], [sflag:$0x1] =	stream.indirect_vreg.gather [hbm4b:s5+s3], $0x80, v4, vm0, $0xb8;
	[tilespmem:$0x1E080] =	vst v63  }
0xbe: {  	s23 =	simm.s32 $0x15080  }
0xbf: {  	[tilespmem:s23], [sflag:$0x1] =	stream.indirect_vreg.gather [hbm4b:s1+s3], $0x80, v3, vm0, $0xb8;
	[tilespmem:$0x1E080] =	vst v63  }
0xc0: {  	s7 =	simm.s32 $0x15880  }
0xc1: {  	[tilespmem:s7], [sflag:$0x1] =	stream.indirect_vreg.gather [hbm4b:s5+s3], $0x80, v3, vm0, $0xb8;
	[tilespmem:$0x1E080] =	vst v63  }
0xc2: {  	v3 =	vld.msk [tilespmem:$0xA0], $0xff;
	_ =	sdelay $0x4  }
0xc3: {  	v59 =	vshll.u32 v3, $0x2  }
0xc4: {  	v3 =	vand.u32 $0x7, v3;
	v4 =	vand.u32 $0xFFFFFFE0, v59  }
0xc5: {  	v3 =	vor.u32 v3, v4  }
0xc6: {  	v3 =	vperm.xlane v3, v0;
	_ =	sdelay $0x1  }
0xc7: {  	v3 =	vadd.s32 v1, v3;
	_ =	sdelay $0x3  }
0xc8: {  	s0 =	simm.s32 $0x16080  }
0xc9: {  	[tilespmem:s0], [sflag:$0x1] =	stream.indirect_vreg.gather [hbm4b:s1+s3], $0x80, v3, vm0, $0xb8;
	[tilespmem:$0x1E080] =	vst v63  }
0xca: {  	s11 =	simm.s32 $0x16880  }
0xcb: {  	[tilespmem:s11], [sflag:$0x1] =	stream.indirect_vreg.gather [hbm4b:s5+s3], $0x80, v3, vm0, $0xb8;
	[tilespmem:$0x1E080] =	vst v63  }
0xcc: {  	_ =	swait.ge [sflag:s25], $0x7000  }
0xcd: {  	[sflag:s25] =	ssyncset.done $0x0  }
0xce: {  	s23 =	rddreg [dreg:$0xe];
	[sflag:s25] =	ssyncadd.s32 $0xFFFF9000  }
0xcf: {  	[spmem:s23] =	stream.linear.scatter [tilespmem:s30], [sflag:$0x5], $0x7000, $0x38;
	[tilespmem:$0x1E080] =	vst v63  }
0xd0: {  	_ =	swait.ge [sflag:s14], $0x7000  }
0xd1: {  	s31 =	sor.u32 $0x1C04, s2;
	[sflag:s14] =	ssyncset.done $0x0  }
0xd2: {  	s17 =	sshrl.u32 s23, $0x3;
	s6 =	rddreg [dreg:$0x8];
	[sflag:s14] =	ssyncadd.s32 $0xFFFF9000  }
0xd3: {  	[hbm:s6], [sflag:s31] =	dma.local [spmem:s17], $0xE00  }
0xd4: {  	v3 =	vld [tilespmem:$0xA8];
	_ =	sdelay $0x4  }
0xd5: {  	v60 =	vshll.u32 v3, $0x2  }
0xd6: {  	v3 =	vand.u32 $0x7, v3;
	v4 =	vand.u32 $0xFFFFFFE0, v60  }
0xd7: {  	v3 =	vor.u32 v3, v4  }
0xd8: {  	v4 =	vperm.xlane v3, v0;
	_ =	sdelay $0x1  }
0xd9: {  	v4 =	vadd.s32 v1, v4;
	_ =	sdelay $0x1  }
0xda: {  	v3 =	vperm.xlane v3, v2;
	_ =	sdelay $0x1  }
0xdb: {  	v3 =	vadd.s32 v1, v3  }
0xdc: {  	[tilespmem:s30], [sflag:$0x2] =	stream.indirect_vreg.gather [hbm4b:s1+s3], $0x80, v4, vm0, $0xb8;
	[tilespmem:$0x1E080] =	vst v63  }
0xdd: {  	s8 =	simm.s32 $0x17880  }
0xde: {  	[tilespmem:s8], [sflag:$0x2] =	stream.indirect_vreg.gather [hbm4b:s5+s3], $0x80, v4, vm0, $0xb8;
	[tilespmem:$0x1E080] =	vst v63  }
0xdf: {  	s13 =	simm.s32 $0x18080  }
0xe0: {  	[tilespmem:s13], [sflag:$0x2] =	stream.indirect_vreg.gather [hbm4b:s1+s3], $0x80, v3, vm0, $0xb8;
	[tilespmem:$0x1E080] =	vst v63  }
0xe1: {  	s18 =	simm.s32 $0x18880  }
0xe2: {  	[tilespmem:s18], [sflag:$0x2] =	stream.indirect_vreg.gather [hbm4b:s5+s3], $0x80, v3, vm0, $0xb8;
	[tilespmem:$0x1E080] =	vst v63  }
0xe3: {  	v3 =	vld [tilespmem:$0xB8];
	_ =	sdelay $0x4  }
0xe4: {  	v61 =	vshll.u32 v3, $0x2  }
0xe5: {  	v3 =	vand.u32 $0x7, v3;
	v4 =	vand.u32 $0xFFFFFFE0, v61  }
0xe6: {  	v3 =	vor.u32 v3, v4  }
0xe7: {  	v4 =	vperm.xlane v3, v0;
	_ =	sdelay $0x1  }
0xe8: {  	v4 =	vadd.s32 v1, v4;
	_ =	sdelay $0x1  }
0xe9: {  	v3 =	vperm.xlane v3, v2;
	_ =	sdelay $0x1  }
0xea: {  	s19 =	simm.s32 $0x19080;
	v3 =	vadd.s32 v1, v3  }
0xeb: {  	[tilespmem:s19], [sflag:$0x2] =	stream.indirect_vreg.gather [hbm4b:s1+s3], $0x80, v4, vm0, $0xb8;
	[tilespmem:$0x1E080] =	vst v63  }
0xec: {  	s4 =	simm.s32 $0x19880  }
0xed: {  	[tilespmem:s4], [sflag:$0x2] =	stream.indirect_vreg.gather [hbm4b:s5+s3], $0x80, v4, vm0, $0xb8;
	[tilespmem:$0x1E080] =	vst v63  }
0xee: {  	s12 =	simm.s32 $0x1A080  }
0xef: {  	[tilespmem:s12], [sflag:$0x2] =	stream.indirect_vreg.gather [hbm4b:s1+s3], $0x80, v3, vm0, $0xb8;
	[tilespmem:$0x1E080] =	vst v63  }
0xf0: {  	_ = 	snop  }
0xf1: {  	[tilespmem:s20], [sflag:$0x2] =	stream.indirect_vreg.gather [hbm4b:s5+s3], $0x80, v3, vm0, $0xb8;
	[tilespmem:$0x1E080] =	vst v63  }
0xf2: {  	v3 =	vld [tilespmem:$0xC8];
	_ =	sdelay $0x4  }
0xf3: {  	v62 =	vshll.u32 v3, $0x2  }
0xf4: {  	v3 =	vand.u32 $0x7, v3;
	v4 =	vand.u32 $0xFFFFFFE0, v62  }
0xf5: {  	v3 =	vor.u32 v3, v4  }
0xf6: {  	v4 =	vperm.xlane v3, v0;
	_ =	sdelay $0x1  }
0xf7: {  	v4 =	vadd.s32 v1, v4;
	_ =	sdelay $0x1  }
0xf8: {  	v3 =	vperm.xlane v3, v2;
	_ =	sdelay $0x1  }
0xf9: {  	s7 =	simm.s32 $0x1B080;
	v3 =	vadd.s32 v1, v3  }
0xfa: {  	[tilespmem:s7], [sflag:$0x2] =	stream.indirect_vreg.gather [hbm4b:s1+s3], $0x80, v4, vm0, $0xb8;
	[tilespmem:$0x1E080] =	vst v63  }
0xfb: {  	s12 =	simm.s32 $0x1B880  }
0xfc: {  	[tilespmem:s12], [sflag:$0x2] =	stream.indirect_vreg.gather [hbm4b:s5+s3], $0x80, v4, vm0, $0xb8;
	[tilespmem:$0x1E080] =	vst v63  }
0xfd: {  	s13 =	simm.s32 $0x1C080  }
0xfe: {  	[tilespmem:s13], [sflag:$0x2] =	stream.indirect_vreg.gather [hbm4b:s1+s3], $0x80, v3, vm0, $0xb8;
	[tilespmem:$0x1E080] =	vst v63  }
0xff: {  	s18 =	simm.s32 $0x1C880  }
0x100: {  	[tilespmem:s18], [sflag:$0x2] =	stream.indirect_vreg.gather [hbm4b:s5+s3], $0x80, v3, vm0, $0xb8;
	[tilespmem:$0x1E080] =	vst v63  }
0x101: {  	v3 =	vld.msk [tilespmem:$0xD8], $0xff;
	_ =	sdelay $0x4  }
0x102: {  	v63 =	vshll.u32 v3, $0x2  }
0x103: {  	v3 =	vand.u32 $0x7, v3;
	v4 =	vand.u32 $0xFFFFFFE0, v63  }
0x104: {  	v3 =	vor.u32 v3, v4  }
0x105: {  	v3 =	vperm.xlane v3, v0;
	_ =	sdelay $0x1  }
0x106: {  	s21 =	simm.s32 $0x19880;
	s2 =	simm.s32 $0xFFF83C00;
	s22 =	simm.s32 $0x1A080;
	v3 =	vadd.s32 v1, v3  }
0x107: {  	s9 =	simm.s32 $0x1B080;
	s10 =	simm.s32 $0x18880;
	s15 =	simm.s32 $0x16880  }
0x108: {  	s11 =	simm.s32 $0x17880;
	s23 =	simm.s32 $0x1A880;
	s6 =	simm.s32 $0x19080  }
0x109: {  	s30 =	simm.s32 $0x1D880;
	s8 =	simm.s32 $0x18080;
	s19 =	simm.s32 $0x1D080  }
0x10a: {  	s4 =	simm.s32 $0x1C880;
	s20 =	simm.s32 $0x1B880;
	s7 =	simm.s32 $0x1D880  }
0x10b: {  	[tilespmem:s19], [sflag:$0x2] =	stream.indirect_vreg.gather [hbm4b:s1+s3], $0x80, v3, vm0, $0xb8;
	[tilespmem:$0x1E080] =	vst v63  }
0x10c: {  	s12 =	simm.s32 $0x1C080;
	s13 =	simm.s32 $0x1D080;
	s18 =	simm.s32 $0x148  }
0x10d: {  	[tilespmem:s30], [sflag:$0x2] =	stream.indirect_vreg.gather [hbm4b:s5+s3], $0x80, v3, vm0, $0xb8;
	[tilespmem:$0x1E080] =	vst v63  }
.LBB2_2:
0x10e: {  	_ =	swait.ge [sflag:s24], $0x7000  }
0x10f: {  	[sflag:s24] =	ssyncset.done $0x0  }
0x110: {  	[sflag:s24] =	ssyncadd.s32 $0xFFFF9000  }
0x111: {  	_ =	swait.ge [sflag:s26], $0xE00  }
0x112: {  	[sflag:s26] =	ssyncset.done $0x0  }
0x113: {  	s30 =	simm.s32 $0x10080;
	s0 =	rddreg [dreg:$0xf];
	[sflag:s26] =	ssyncadd.s32 $0xFFFFF200  }
0x114: {  	[spmem:s0] =	stream.linear.scatter [tilespmem:s30], [sflag:$0x5], $0x7000, $0x38;
	[tilespmem:$0x1E080] =	vst v63  }
0x115: {  	_ =	swait.ge [sflag:s14], $0x7000  }
0x116: {  	s19 =	rddreg [dreg:$0x5]  }
0x117: {  	[sflag:s14] =	ssyncset.done $0x0;
	s0 =	sadd.s32 s2, s19  }
0x118: {  	[sflag:s14] =	ssyncadd.s32 $0xFFFF9000;
	s19 =	sadd.s32 $0x7E000, s0  }
0x119: {  	[hbm:s19], [sflag:s29] =	dma.local [spmem:s16], $0xE00  }
0x11a: {  	v3 =	vld [tilespmem:s18+$0xFFFFFF98];
	_ =	sdelay $0x4  }
0x11b: {  	v4 =	vshll.u32 v3, $0x2  }
0x11c: {  	v3 =	vand.u32 $0x7, v3;
	v4 =	vand.u32 $0xFFFFFFE0, v4  }
0x11d: {  	v3 =	vor.u32 v3, v4  }
0x11e: {  	v4 =	vperm.xlane v3, v0;
	_ =	sdelay $0x1  }
0x11f: {  	v4 =	vadd.s32 v1, v4;
	_ =	sdelay $0x1  }
0x120: {  	v3 =	vperm.xlane v3, v2;
	_ =	sdelay $0x1  }
0x121: {  	v3 =	vadd.s32 v1, v3  }
0x122: {  	[tilespmem:s30], [sflag:$0x1] =	stream.indirect_vreg.gather [hbm4b:s1+s3], $0x80, v4, vm0, $0xb8;
	[tilespmem:$0x1E080] =	vst v63  }
0x123: {  	s30 =	simm.s32 $0x10880  }
0x124: {  	[tilespmem:s30], [sflag:$0x1] =	stream.indirect_vreg.gather [hbm4b:s5+s3], $0x80, v4, vm0, $0xb8;
	[tilespmem:$0x1E080] =	vst v63  }
0x125: {  	s30 =	simm.s32 $0x11080  }
0x126: {  	[tilespmem:s30], [sflag:$0x1] =	stream.indirect_vreg.gather [hbm4b:s1+s3], $0x80, v3, vm0, $0xb8;
	[tilespmem:$0x1E080] =	vst v63  }
0x127: {  	s30 =	simm.s32 $0x11880  }
0x128: {  	[tilespmem:s30], [sflag:$0x1] =	stream.indirect_vreg.gather [hbm4b:s5+s3], $0x80, v3, vm0, $0xb8;
	[tilespmem:$0x1E080] =	vst v63  }
0x129: {  	v3 =	vld [tilespmem:s18+$0xFFFFFFA8];
	_ =	sdelay $0x4  }
0x12a: {  	v57 =	vshll.u32 v3, $0x2  }
0x12b: {  	v3 =	vand.u32 $0x7, v3;
	v4 =	vand.u32 $0xFFFFFFE0, v57  }
0x12c: {  	v3 =	vor.u32 v3, v4  }
0x12d: {  	v4 =	vperm.xlane v3, v0;
	_ =	sdelay $0x1  }
0x12e: {  	v4 =	vadd.s32 v1, v4;
	_ =	sdelay $0x1  }
0x12f: {  	v3 =	vperm.xlane v3, v2;
	_ =	sdelay $0x1  }
0x130: {  	s30 =	simm.s32 $0x12080;
	v3 =	vadd.s32 v1, v3  }
0x131: {  	[tilespmem:s30], [sflag:$0x1] =	stream.indirect_vreg.gather [hbm4b:s1+s3], $0x80, v4, vm0, $0xb8;
	[tilespmem:$0x1E080] =	vst v63  }
0x132: {  	s30 =	simm.s32 $0x12880  }
0x133: {  	[tilespmem:s30], [sflag:$0x1] =	stream.indirect_vreg.gather [hbm4b:s5+s3], $0x80, v4, vm0, $0xb8;
	[tilespmem:$0x1E080] =	vst v63  }
0x134: {  	s30 =	simm.s32 $0x13080  }
0x135: {  	[tilespmem:s30], [sflag:$0x1] =	stream.indirect_vreg.gather [hbm4b:s1+s3], $0x80, v3, vm0, $0xb8;
	[tilespmem:$0x1E080] =	vst v63  }
0x136: {  	s30 =	simm.s32 $0x13880  }
0x137: {  	[tilespmem:s30], [sflag:$0x1] =	stream.indirect_vreg.gather [hbm4b:s5+s3], $0x80, v3, vm0, $0xb8;
	[tilespmem:$0x1E080] =	vst v63  }
0x138: {  	v3 =	vld [tilespmem:s18+$0xFFFFFFB8];
	_ =	sdelay $0x4  }
0x139: {  	v58 =	vshll.u32 v3, $0x2  }
0x13a: {  	v3 =	vand.u32 $0x7, v3;
	v4 =	vand.u32 $0xFFFFFFE0, v58  }
0x13b: {  	v3 =	vor.u32 v3, v4  }
0x13c: {  	v4 =	vperm.xlane v3, v0;
	_ =	sdelay $0x1  }
0x13d: {  	v4 =	vadd.s32 v1, v4;
	_ =	sdelay $0x1  }
0x13e: {  	v3 =	vperm.xlane v3, v2;
	_ =	sdelay $0x1  }
0x13f: {  	s30 =	simm.s32 $0x14080;
	v3 =	vadd.s32 v1, v3  }
0x140: {  	[tilespmem:s30], [sflag:$0x1] =	stream.indirect_vreg.gather [hbm4b:s1+s3], $0x80, v4, vm0, $0xb8;
	[tilespmem:$0x1E080] =	vst v63  }
0x141: {  	s30 =	simm.s32 $0x14880  }
0x142: {  	[tilespmem:s30], [sflag:$0x1] =	stream.indirect_vreg.gather [hbm4b:s5+s3], $0x80, v4, vm0, $0xb8;
	[tilespmem:$0x1E080] =	vst v63  }
0x143: {  	s30 =	simm.s32 $0x15080  }
0x144: {  	[tilespmem:s30], [sflag:$0x1] =	stream.indirect_vreg.gather [hbm4b:s1+s3], $0x80, v3, vm0, $0xb8;
	[tilespmem:$0x1E080] =	vst v63  }
0x145: {  	s30 =	simm.s32 $0x15880  }
0x146: {  	[tilespmem:s30], [sflag:$0x1] =	stream.indirect_vreg.gather [hbm4b:s5+s3], $0x80, v3, vm0, $0xb8;
	[tilespmem:$0x1E080] =	vst v63  }
0x147: {  	v3 =	vld.msk [tilespmem:s18+$0xFFFFFFC8], $0xff;
	_ =	sdelay $0x4  }
0x148: {  	v59 =	vshll.u32 v3, $0x2  }
0x149: {  	v3 =	vand.u32 $0x7, v3;
	v4 =	vand.u32 $0xFFFFFFE0, v59  }
0x14a: {  	v3 =	vor.u32 v3, v4  }
0x14b: {  	v3 =	vperm.xlane v3, v0;
	_ =	sdelay $0x1  }
0x14c: {  	v3 =	vadd.s32 v1, v3;
	_ =	sdelay $0x3  }
0x14d: {  	s30 =	simm.s32 $0x16080  }
0x14e: {  	[tilespmem:s30], [sflag:$0x1] =	stream.indirect_vreg.gather [hbm4b:s1+s3], $0x80, v3, vm0, $0xb8;
	[tilespmem:$0x1E080] =	vst v63  }
0x14f: {  	_ = 	snop  }
0x150: {  	[tilespmem:s15], [sflag:$0x1] =	stream.indirect_vreg.gather [hbm4b:s5+s3], $0x80, v3, vm0, $0xb8;
	[tilespmem:$0x1E080] =	vst v63  }
0x151: {  	_ =	swait.ge [sflag:s25], $0x7000  }
0x152: {  	[sflag:s25] =	ssyncset.done $0x0  }
0x153: {  	[sflag:s25] =	ssyncadd.s32 $0xFFFF9000  }
0x154: {  	_ =	swait.ge [sflag:s28], $0xE00  }
0x155: {  	[sflag:s28] =	ssyncset.done $0x0  }
0x156: {  	s30 =	simm.s32 $0x17080;
	s19 =	rddreg [dreg:$0xe];
	[sflag:s28] =	ssyncadd.s32 $0xFFFFF200  }
0x157: {  	[spmem:s19] =	stream.linear.scatter [tilespmem:s30], [sflag:$0x5], $0x7000, $0x38;
	[tilespmem:$0x1E080] =	vst v63  }
0x158: {  	_ =	swait.ge [sflag:s14], $0x7000  }
0x159: {  	[sflag:s14] =	ssyncset.done $0x0  }
0x15a: {  	s0 =	sadd.s32 $0x7EE00, s0;
	[sflag:s14] =	ssyncadd.s32 $0xFFFF9000  }
0x15b: {  	[hbm:s0], [sflag:s31] =	dma.local [spmem:s17], $0xE00  }
0x15c: {  	v3 =	vld [tilespmem:s18+$0xFFFFFFD0];
	_ =	sdelay $0x4  }
0x15d: {  	v60 =	vshll.u32 v3, $0x2  }
0x15e: {  	v3 =	vand.u32 $0x7, v3;
	v4 =	vand.u32 $0xFFFFFFE0, v60  }
0x15f: {  	v3 =	vor.u32 v3, v4  }
0x160: {  	v4 =	vperm.xlane v3, v0;
	_ =	sdelay $0x1  }
0x161: {  	v4 =	vadd.s32 v1, v4;
	_ =	sdelay $0x1  }
0x162: {  	v3 =	vperm.xlane v3, v2;
	_ =	sdelay $0x1  }
0x163: {  	v3 =	vadd.s32 v1, v3  }
0x164: {  	[tilespmem:s30], [sflag:$0x2] =	stream.indirect_vreg.gather [hbm4b:s1+s3], $0x80, v4, vm0, $0xb8;
	[tilespmem:$0x1E080] =	vst v63  }
0x165: {  	_ = 	snop  }
0x166: {  	[tilespmem:s11], [sflag:$0x2] =	stream.indirect_vreg.gather [hbm4b:s5+s3], $0x80, v4, vm0, $0xb8;
	[tilespmem:$0x1E080] =	vst v63  }
0x167: {  	_ = 	snop  }
0x168: {  	[tilespmem:s8], [sflag:$0x2] =	stream.indirect_vreg.gather [hbm4b:s1+s3], $0x80, v3, vm0, $0xb8;
	[tilespmem:$0x1E080] =	vst v63  }
0x169: {  	_ = 	snop  }
0x16a: {  	[tilespmem:s10], [sflag:$0x2] =	stream.indirect_vreg.gather [hbm4b:s5+s3], $0x80, v3, vm0, $0xb8;
	[tilespmem:$0x1E080] =	vst v63  }
0x16b: {  	v3 =	vld [tilespmem:s18+$0xFFFFFFE0];
	_ =	sdelay $0x4  }
0x16c: {  	v61 =	vshll.u32 v3, $0x2  }
0x16d: {  	v3 =	vand.u32 $0x7, v3;
	v4 =	vand.u32 $0xFFFFFFE0, v61  }
0x16e: {  	v3 =	vor.u32 v3, v4  }
0x16f: {  	v4 =	vperm.xlane v3, v0;
	_ =	sdelay $0x1  }
0x170: {  	v4 =	vadd.s32 v1, v4;
	_ =	sdelay $0x1  }
0x171: {  	v3 =	vperm.xlane v3, v2;
	_ =	sdelay $0x1  }
0x172: {  	v3 =	vadd.s32 v1, v3  }
0x173: {  	[tilespmem:s6], [sflag:$0x2] =	stream.indirect_vreg.gather [hbm4b:s1+s3], $0x80, v4, vm0, $0xb8;
	[tilespmem:$0x1E080] =	vst v63  }
0x174: {  	_ = 	snop  }
0x175: {  	[tilespmem:s21], [sflag:$0x2] =	stream.indirect_vreg.gather [hbm4b:s5+s3], $0x80, v4, vm0, $0xb8;
	[tilespmem:$0x1E080] =	vst v63  }
0x176: {  	_ = 	snop  }
0x177: {  	[tilespmem:s22], [sflag:$0x2] =	stream.indirect_vreg.gather [hbm4b:s1+s3], $0x80, v3, vm0, $0xb8;
	[tilespmem:$0x1E080] =	vst v63  }
0x178: {  	_ = 	snop  }
0x179: {  	[tilespmem:s23], [sflag:$0x2] =	stream.indirect_vreg.gather [hbm4b:s5+s3], $0x80, v3, vm0, $0xb8;
	[tilespmem:$0x1E080] =	vst v63  }
0x17a: {  	v3 =	vld [tilespmem:s18+$0xFFFFFFF0];
	_ =	sdelay $0x4  }
0x17b: {  	v62 =	vshll.u32 v3, $0x2  }
0x17c: {  	v3 =	vand.u32 $0x7, v3;
	v4 =	vand.u32 $0xFFFFFFE0, v62  }
0x17d: {  	v3 =	vor.u32 v3, v4  }
0x17e: {  	v4 =	vperm.xlane v3, v0;
	_ =	sdelay $0x1  }
0x17f: {  	v4 =	vadd.s32 v1, v4;
	_ =	sdelay $0x1  }
0x180: {  	v3 =	vperm.xlane v3, v2;
	_ =	sdelay $0x1  }
0x181: {  	v3 =	vadd.s32 v1, v3  }
0x182: {  	[tilespmem:s9], [sflag:$0x2] =	stream.indirect_vreg.gather [hbm4b:s1+s3], $0x80, v4, vm0, $0xb8;
	[tilespmem:$0x1E080] =	vst v63  }
0x183: {  	_ = 	snop  }
0x184: {  	[tilespmem:s20], [sflag:$0x2] =	stream.indirect_vreg.gather [hbm4b:s5+s3], $0x80, v4, vm0, $0xb8;
	[tilespmem:$0x1E080] =	vst v63  }
0x185: {  	_ = 	snop  }
0x186: {  	[tilespmem:s12], [sflag:$0x2] =	stream.indirect_vreg.gather [hbm4b:s1+s3], $0x80, v3, vm0, $0xb8;
	[tilespmem:$0x1E080] =	vst v63  }
0x187: {  	_ = 	snop  }
0x188: {  	[tilespmem:s4], [sflag:$0x2] =	stream.indirect_vreg.gather [hbm4b:s5+s3], $0x80, v3, vm0, $0xb8;
	[tilespmem:$0x1E080] =	vst v63  }
0x189: {  	v3 =	vld.msk [tilespmem:s18+$0x0], $0xff;
	_ =	sdelay $0x4  }
0x18a: {  	v63 =	vshll.u32 v3, $0x2  }
0x18b: {  	v3 =	vand.u32 $0x7, v3;
	v4 =	vand.u32 $0xFFFFFFE0, v63  }
0x18c: {  	v3 =	vor.u32 v3, v4  }
0x18d: {  	v3 =	vperm.xlane v3, v0;
	_ =	sdelay $0x1  }
0x18e: {  	v3 =	vadd.s32 v1, v3;
	_ =	sdelay $0x1  }
0x18f: {  	p0 =	sne.s32 s2, $0xFFFFE400  }
.Ltmp0:
0x190: {  	_ = 	snop;
	(pc) =	sbr.rel @p0 .LBB2_2-.Ltmp0, $4  }
0x191: {  	_ = 	snop  }
0x192: {  	[tilespmem:s13], [sflag:$0x2] =	stream.indirect_vreg.gather [hbm4b:s1+s3], $0x80, v3, vm0, $0xb8;
	[tilespmem:$0x1E080] =	vst v63  }
0x193: {  	s2 =	sadd.s32 $0x1C00, s2;
	s19 =	simm.s32 $0x17080;
	s18 =	sadd.s32 $0x70, s18  }
0x194: {  	[tilespmem:s7], [sflag:$0x2] =	stream.indirect_vreg.gather [hbm4b:s5+s3], $0x80, v3, vm0, $0xb8;
	[tilespmem:$0x1E080] =	vst v63  }
0x195: {  	_ =	swait.ge [sflag:s24], $0x7000  }
0x196: {  	[sflag:s24] =	ssyncset.done $0x0  }
0x197: {  	[sflag:s24] =	ssyncadd.s32 $0xFFFF9000  }
0x198: {  	_ =	swait.ge [sflag:s26], $0xE00  }
0x199: {  	[sflag:s26] =	ssyncset.done $0x0  }
0x19a: {  	s4 =	simm.s32 $0x10080;
	s2 =	rddreg [dreg:$0xf];
	[sflag:s26] =	ssyncadd.s32 $0xFFFFF200  }
0x19b: {  	[spmem:s2] =	stream.linear.scatter [tilespmem:s4], [sflag:$0x5], $0x7000, $0x38;
	[tilespmem:$0x1E080] =	vst v63  }
0x19c: {  	_ =	swait.ge [sflag:s14], $0x7000  }
0x19d: {  	[sflag:s14] =	ssyncset.done $0x0  }
0x19e: {  	s0 =	rddreg [dreg:$0x9];
	[sflag:s14] =	ssyncadd.s32 $0xFFFF9000  }
0x19f: {  	[hbm:s0], [sflag:s29] =	dma.local [spmem:s16], $0xE00  }
0x1a0: {  	_ =	swait.ge [sflag:s25], $0x7000  }
0x1a1: {  	[sflag:s25] =	ssyncset.done $0x0  }
0x1a2: {  	[sflag:s25] =	ssyncadd.s32 $0xFFFF9000  }
0x1a3: {  	_ =	swait.ge [sflag:s28], $0xE00  }
0x1a4: {  	[sflag:s28] =	ssyncset.done $0x0  }
0x1a5: {  	s13 =	rddreg [dreg:$0xe];
	[sflag:s28] =	ssyncadd.s32 $0xFFFFF200  }
0x1a6: {  	[spmem:s13] =	stream.linear.scatter [tilespmem:s19], [sflag:$0x5], $0x7000, $0x38;
	[tilespmem:$0x1E080] =	vst v63  }
0x1a7: {  	_ =	swait.ge [sflag:s14], $0x7000  }
0x1a8: {  	[sflag:s14] =	ssyncset.done $0x0  }
0x1a9: {  	s15 =	rddreg [dreg:$0xa];
	[sflag:s14] =	ssyncadd.s32 $0xFFFF9000  }
0x1aa: {  	[hbm:s15], [sflag:s31] =	dma.local [spmem:s17], $0xE00  }
0x1ab: {  	v3 =	vld [tilespmem:$0x1FF0];
	_ =	sdelay $0x4  }
0x1ac: {  	v4 =	vshll.u32 v3, $0x2  }
0x1ad: {  	v3 =	vand.u32 $0x7, v3;
	v4 =	vand.u32 $0xFFFFFFE0, v4  }
0x1ae: {  	v3 =	vor.u32 v3, v4  }
0x1af: {  	v4 =	vperm.xlane v3, v0;
	_ =	sdelay $0x1  }
0x1b0: {  	v4 =	vadd.s32 v1, v4;
	_ =	sdelay $0x1  }
0x1b1: {  	v3 =	vperm.xlane v3, v2;
	_ =	sdelay $0x1  }
0x1b2: {  	v3 =	vadd.s32 v1, v3  }
0x1b3: {  	[tilespmem:s4], [sflag:$0x1] =	stream.indirect_vreg.gather [hbm4b:s1+s3], $0x80, v4, vm0, $0xb8;
	[tilespmem:$0x1E080] =	vst v63  }
0x1b4: {  	s18 =	simm.s32 $0x10880  }
0x1b5: {  	[tilespmem:s18], [sflag:$0x1] =	stream.indirect_vreg.gather [hbm4b:s5+s3], $0x80, v4, vm0, $0xb8;
	[tilespmem:$0x1E080] =	vst v63  }
0x1b6: {  	s19 =	simm.s32 $0x11080  }
0x1b7: {  	[tilespmem:s19], [sflag:$0x1] =	stream.indirect_vreg.gather [hbm4b:s1+s3], $0x80, v3, vm0, $0xb8;
	[tilespmem:$0x1E080] =	vst v63  }
0x1b8: {  	s20 =	simm.s32 $0x11880  }
0x1b9: {  	[tilespmem:s20], [sflag:$0x1] =	stream.indirect_vreg.gather [hbm4b:s5+s3], $0x80, v3, vm0, $0xb8;
	[tilespmem:$0x1E080] =	vst v63  }
0x1ba: {  	v3 =	vld.msk [tilespmem:$0x2000], $0xff;
	_ =	sdelay $0x4  }
0x1bb: {  	v63 =	vshll.u32 v3, $0x2  }
0x1bc: {  	v3 =	vand.u32 $0x7, v3;
	v4 =	vand.u32 $0xFFFFFFE0, v63  }
0x1bd: {  	v3 =	vor.u32 v3, v4  }
0x1be: {  	v3 =	vperm.xlane v3, v0;
	_ =	sdelay $0x1  }
0x1bf: {  	v3 =	vadd.s32 v1, v3;
	_ =	sdelay $0x3  }
0x1c0: {  	s21 =	simm.s32 $0x12080  }
0x1c1: {  	[tilespmem:s21], [sflag:$0x1] =	stream.indirect_vreg.gather [hbm4b:s1+s3], $0x80, v3, vm0, $0xb8;
	[tilespmem:$0x1E080] =	vst v63  }
0x1c2: {  	s22 =	simm.s32 $0x12880  }
0x1c3: {  	[tilespmem:s22], [sflag:$0x1] =	stream.indirect_vreg.gather [hbm4b:s5+s3], $0x80, v3, vm0, $0xb8;
	[tilespmem:$0x1E080] =	vst v63  }
0x1c4: {  	_ =	swait.ge [sflag:s24], $0x3000  }
0x1c5: {  	[sflag:s24] =	ssyncset.done $0x0  }
0x1c6: {  	[sflag:s24] =	ssyncadd.s32 $0xFFFFD000  }
0x1c7: {  	_ =	swait.ge [sflag:s26], $0xE00  }
0x1c8: {  	[sflag:s26] =	ssyncset.done $0x0  }
0x1c9: {  	[sflag:s26] =	ssyncadd.s32 $0xFFFFF200  }
0x1ca: {  	[spmem:s2] =	stream.linear.scatter [tilespmem:s4], [sflag:$0x5], $0x3000, $0x38;
	[tilespmem:$0x1E080] =	vst v63  }
0x1cb: {  	_ =	swait.ge [sflag:s14], $0x3000  }
0x1cc: {  	[sflag:s14] =	ssyncset.done $0x0  }
0x1cd: {  	s23 =	rddreg [dreg:$0xb];
	[sflag:s14] =	ssyncadd.s32 $0xFFFFD000  }
0x1ce: {  	[hbm:s23], [sflag:s29] =	dma.local [spmem:s16], $0x600  }
0x1cf: {  	_ =	swait.ge [sflag:s26], $0x600  }
0x1d0: {  	[sflag:s26] =	ssyncset.done $0x0  }
0x1d1: {  	[sflag:s26] =	ssyncadd.s32 $0xFFFFFA00  }
0x1d2: {  	_ =	swait.ge [sflag:s28], $0xE00  }
0x1d3: {  	s30 =	rddreg [dreg:$0xd]  }
0x1d4: {  	s31 =	rddreg [dreg:$0xc];
	s17 =	sadd.s32 $0x1, s30  }
0x1d5: {  	s7 =	simm.s32 $0x14080;
	s9 =	simm.s32 $0x14880;
	p0 =	sne.s32 s17, s31  }
.Ltmp1:
0x1d6: {  	s10 =	simm.s32 $0x15080;
	s11 =	simm.s32 $0x15880;
	(pc) =	sbr.rel @p0 .LBB2_1-.Ltmp1, $4  }
0x1d7: {  	s12 =	simm.s32 $0x16080;
	s13 =	simm.s32 $0x16880;
	s20 =	simm.s32 $0x18080  }
0x1d8: {  	s21 =	simm.s32 $0x18880;
	s22 =	simm.s32 $0x19080;
	s2 =	simm.s32 $0x13080  }
0x1d9: {  	s4 =	simm.s32 $0x13880;
	s16 =	simm.s32 $0x17880;
	[sflag:s28] =	ssyncset.done $0x0  }
0x1da: {  	s23 =	simm.s32 $0x19880;
	s29 =	simm.s32 $0x1A080;
	[sflag:s28] =	ssyncadd.s32 $0xFFFFF200  }
0x1db: {  	_ =	sfence.sel $0x180000  }
0x1dc: {  	[bflag:$0x0] =	sbarrier.arrive $0xFFFF  }
0x1dd: {  	_ =	strace $0x90000047  }
0x1de: {  	s0 =	stileid.u32;
	[bflag:$0x2] =	sbarrier.arrive $0xFFFF  }
0x1df: {  	p0 =	sne.s32 s0, $0x0;
	s0 =	rddreg [dreg:$0x4]  }
0x1e0: {  	s0 =	sadd.s32 @!p0 $0x100000, s0  }
0x1e1: {  	[sflag:s0] =	ssyncadd.tile.s32 @!p0 $0x1;
	_ =	shalt  }
.Lfunc_end2:
_tile_overlayer_lowered:
.L_overlay_start_2:
0x1e2: {  	(tag) =	ssettag $0x2  }
0x1e3: {  	s0 =	rddreg [dreg:$0x0];
	s2 =	stileid.u32  }
0x1e4: {  	s1 =	rddreg [dreg:$0x1];
	p0 =	sne.s32 s2, $0x0  }
0x1e5: {  	s3 =	rddreg [dreg:$0x2];
	[bflag:$0x3] =	sbarrier.arrive $0xFFFF;
	s2 =	simm.s32 @!p0 $0x1C05  }
0x1e6: {  	[timem:s3], [sflag:s2] =	dma.local @!p0 [hbm:s0], s1  }
0x1e7: {  	s0 =	simm.s32 @!p0 $0x5  }
0x1e8: {  	_ =	swait.ge @!p0 [sflag:s0], s1  }
0x1e9: {  	s1 =	ssub.s32 @!p0 $0x0, s1;
	[sflag:s0] =	ssyncset.done @!p0 $0x0  }
0x1ea: {  	[sflag:s0] =	ssyncadd.s32 @!p0 s1  }
0x1eb: {  	[bflag:$0x3] =	sbarrier.arrive $0xFFFF  }
0x1ec: {  	_ =	shalt  }

// kernel: sparse-core-data-format-call.cloned.1.call-start
scs
called_computation_lowered:
.L_overlay_start_0:
0x0: {  	s2 =	sld [smem:$0x3FD9]  }
0x1: {  	s3 =	sld [smem:$0x3FFE];
	_ =	sdelay $0x1  }
0x2: {  	s1 =	srdreg.scid  }
0x3: {  	s0 =	sand.u32 $0x1, s1  }
0x4: {  	s18 =	sshll.u32 s0, $0xA;
	s2 =	sadd.s32 s3, s2  }
0x5: {  	s2 =	sadd.s32 s2, s18  }
0x6: {  	[smem:$0x3FC6] =	sst s2  }
0x7: {  	_ = 	snop  }
0x8: {  	s2 =	sld [smem:$0x3FD0];
	(tm) =	ssettm $0x1  }
0x9: {  	s19 =	sld [smem:$0x3FFB];
	_ =	sdelay $0x3  }
0xa: {  	_ =	strace s19  }
0xb: {  	s3 =	sld [smem:$0x3FFC];
	_ =	sdelay $0x3  }
0xc: {  	_ =	strace s3  }
0xd: {  	s3 =	sld [smem:$0x3FFD];
	_ =	sdelay $0x3  }
0xe: {  	_ =	strace s3  }
0xf: {  	_ =	strace $0x8FFFFFFF  }
0x10: {  	s20 =	sld [smem:$0x3FDB];
	_ =	sdelay $0x1  }
0x11: {  	s4 =	simm.s32 $_scs_section_size  }
0x12: {  	s5 =	simm.s32 $_size__tile_overlayer_lowered;
	s6 =	simm.s32 $_tile_overlayer_lowered  }
0x13: {  	s23 =	simm.s32 $0x1BFF;
	s22 =	sshll.u32 s6, $0x1;
	s3 =	sadd.s32 s4, s20  }
0x14: {  	s7 =	simm.s32 $0x0;
	s21 =	sshll.u32 s5, $0x1;
	s5 =	sadd.s32 s22, s3  }
0x15: {  	[timem:s7], [sflag:s23] =	dma.local [hbm:s5], s21  }
0x16: {  	_ =	swait.ge [sflag:s23], s21  }
0x17: {  	s4 =	ssub.s32 $0x0, s21;
	[sflag:s23] =	ssyncset.done $0x0  }
0x18: {  	[sflag:s23] =	ssyncadd.s32 s4;
	_ =	sdelay $0x1  }
0x19: {  	s24 =	simm.s32 $0x1B8B  }
0x1a: {  	_ =	swait.ge [sflag:s24], $0x1  }
0x1b: {  	[sflag:s24] =	ssyncset.done $0x0  }
0x1c: {  	s26 =	simm.s32 $0x1B8E;
	s25 =	sld [smem:$0x3FFE];
	[sflag:s24] =	ssyncadd.s32 $0xFFFFFFFF  }
0x1d: {  	s27 =	simm.s32 $execute0_lowered;
	[smem:$0x3FD2] =	sst s26  }
0x1e: {  	s5 =	sshll.u32 s27, $0x1;
	_ =	strace $0x80000049;
	[dreg:$0x1] =	wrdreg $0xFFFFFFFF  }
0x1f: {  	s28 =	simm.s32 $_size_execute0_lowered;
	s3 =	sadd.s32 s3, s5;
	[dreg:$0x0] =	wrdreg $0x0  }
0x20: {  	s5 =	sshll.u32 s28, $0x1;
	[dreg:$0x2] =	wrdreg s3  }
0x21: {  	[dreg:$0x3] =	wrdreg s5  }
0x22: {  	[dreg:$0x4] =	wrdreg $0xC0  }
0x23: {  	_ =	task [dreg:s7], $0x5FFFF  }
0x24: {  	[dreg:$0x1] =	wrdreg $0xFFFFFFFF  }
0x25: {  	[dreg:$0x0] =	wrdreg $0x60  }
0x26: {  	[dreg:$0x2] =	wrdreg s25  }
0x27: {  	[dreg:$0x3] =	wrdreg s2  }
0x28: {  	[dreg:$0x4] =	wrdreg $0x9  }
0x29: {  	_ =	task.clear_ibuf [dreg:s7], $0x5FFFF;
	_ =	strace $0x90000049  }
0x2a: {  	s29 =	simm.s32 $0x9;
	_ =	strace $0x8000004B  }
0x2b: {  	_ =	swait.ge [sflag:s29], $0x1  }
0x2c: {  	[sflag:s29] =	ssyncadd.s32 $0xFFFFFFFF  }
0x2d: {  	_ =	strace $0x9000004B  }
0x2e: {  	_ =	sfence  }
0x2f: {  	s30 =	sld [smem:$0x0];
	_ =	sdelay $0x2  }
0x30: {  	s31 =	sshll.u32 s1, $0xD;
	s1 =	sshrl.u32 s1, $0x2  }
0x31: {  	s3 =	sand.u32 $0x4000, s31;
	s1 =	sadd.s32 s1, s30  }
0x32: {  	s0 =	sor.u32 s3, s0;
	s1 =	sshll.u32 s1, $0x11  }
0x33: {  	s0 =	sor.u32 s1, s0  }
0x34: {  	s0 =	sadd.s32 $0x8F2B, s0  }
0x35: {  	[sflag:s0] =	ssyncadd.remote.s32 $0x1  }
0x36: {  	_ =	sfence.sel $0xFFFF  }
0x37: {  	[dreg:$0x0] =	wrdreg $0xFFFFFFFF;
	(pc) =	sbr.abs _section_cstart, $3  }
0x38: {  	[dreg:$0x1] =	wrdreg $0xFFFFFFFF  }
0x39: {  	_ =	task.clear_ibuf [dreg:s7], $0x2FFFF;
	_ =	strace $0x9FFFFFFF  }
0x3a: {  	(tm) =	ssettm $0x7FFFFFFF  }
0x3b: {  	_ =	shalt  }
tec
execute0_lowered:
.L_overlay_start_1:
0x0: {  	(tag) =	ssettag $0x1  }
0x1: {  	s1 =	srdreg.scid;
	s8 =	rddreg [dreg:$0x0]  }
0x2: {  	s0 =	stileid.u32;
	s2 =	rddreg [dreg:$0x1]  }
0x3: {  	s31 =	simm.s32 $0x2;
	s19 =	simm.s32 $0x0;
	s12 =	simm.s32 $0x1000  }
0x4: {  	s13 =	simm.s32 $0x0;
	s17 =	simm.s32 $0x0;
	s18 =	simm.s32 $0x0  }
0x5: {  	s16 =	simm.s32 $0x0;
	s1 =	sshll.u32 s1, $0x4;
	s4 =	sshll.u32 s0, $0x7  }
0x6: {  	s29 =	sshrl.u32 s0, $0x1;
	s8 =	sadd.s32 $0x800, s8;
	s3 =	sand.u32 $0x10, s1  }
0x7: {  	s1 =	rddreg [dreg:$0x2];
	s9 =	sor.u32 s0, s3;
	s3 =	sand.u32 $0x80, s4  }
0x8: {  	s4 =	sand.u32 $0x3, s29;
	s5 =	sshll.u32 s9, $0x4;
	s6 =	ssub.s32 $0x100, s3  }
0x9: {  	s30 =	ssub.s32 $0x404, s4;
	s5 =	sand.u32 $0x180, s5;
	s7 =	sshrl.u32 s6, $0x7  }
0xa: {  	s6 =	sshrl.u32 s6, $0x8;
	s7 =	sand.u32 $0x1, s7;
	s10 =	ssub.s32 $0x200, s5  }
0xb: {  	s6 =	sadd.s32 s6, s7;
	s11 =	sand.u32 $0x180, s10;
	s7 =	sshrl.u32 s30, $0x2  }
0xc: {  	p0 =	sne.s32 s11, $0x0;
	s11 =	simm.s32 $0x1;
	s7 =	smul.u32 s7, s6  }
.Ltmp0:
0xd: {  	s10 =	sshrl.u32 s10, $0x9;
	s11 =	simm.s32 @!p0 $0x0;
	(pc) =	sbr.rel .LBB1_1-.Ltmp0, $4  }
0xe: {  	_ =	strace $0x8000004A;
	s9 =	sshll.u32 s9, $0x7;
	s10 =	sadd.s32 s11, s10  }
0xf: {  	s14 =	smov.u32 s4;
	s6 =	simm.s32 $0x1;
	s7 =	smul.u32 s10, s7  }
0x10: {  	s15 =	smov.u32 s3;
	s9 =	sand.u32 $0xC00, s9;
	[sflag:s6] =	ssyncpa.u1 $0x0  }
0x11: {  	[sflag:s31] =	ssyncpa.u1 $0x0;
	s11 =	simm.s32 $0x400;
	s10 =	sadd.s32 $0x1, s7  }
.LBB1_4:
0x12: {  	_ =	sdelay $0x3  }
0x13: {  	[tilespmem:v0+s22+$0xFFFFFFD0 ss:$0x1] =	vst.idx.msk $0xffff, v6  }
0x14: {  	v56 =	vld.idx.msk [tilespmem:v1+s21+$0x0 ss:$0x1], $0xffff;
	[tilespmem:v0+s22+$0xFFFFFFE0 ss:$0x1] =	vst.idx.msk $0xffff, v4  }
0x15: {  	v57 =	vld.idx.msk [tilespmem:v1+s21+$0xFFFFFF90 ss:$0x1], $0xffff;
	[tilespmem:v0+s22+$0xFFFFFFF0 ss:$0x1] =	vst.idx.msk $0xffff, v2  }
0x16: {  	v58 =	vld.idx.msk [tilespmem:v1+s21+$0xFFFFFFA0 ss:$0x1], $0xffff;
	[tilespmem:v0+s22+$0x0 ss:$0x1] =	vst.idx.msk $0xffff, v3  }
0x17: {  	v59 =	vld.idx.msk [tilespmem:v1+s21+$0xFFFFFFB0 ss:$0x1], $0xffff;
	[tilespmem:v0+s22+$0x10 ss:$0x1] =	vst.idx.msk $0xffff, v5  }
0x18: {  	v60 =	vld.idx.msk [tilespmem:v1+s21+$0xFFFFFFC0 ss:$0x1], $0xffff;
	[tilespmem:v0+s22+$0x20 ss:$0x1] =	vst.idx.msk $0xffff, v7  }
0x19: {  	v61 =	vld.idx.msk [tilespmem:v1+s21+$0xFFFFFFD0 ss:$0x1], $0xffff;
	[tilespmem:v0+s21+$0x30 ss:$0x1] =	vst.idx.msk $0xffff, v56  }
0x1a: {  	v62 =	vld.idx.msk [tilespmem:v1+s21+$0xFFFFFFE0 ss:$0x1], $0xffff;
	s29 =	sshll.u32 s18, $0x9;
	[tilespmem:v0+s21+$0xFFFFFFC0 ss:$0x1] =	vst.idx.msk $0xffff, v57  }
0x1b: {  	v63 =	vld.idx.msk [tilespmem:v1+s21+$0xFFFFFFF0 ss:$0x1], $0xffff;
	s19 =	sshll.u32 s19, $0x3;
	s23 =	sshll.u32 s18, $0x7;
	s22 =	sand.u32 $0x1F000, s29;
	[tilespmem:v0+s21+$0xFFFFFFD0 ss:$0x1] =	vst.idx.msk $0xffff, v58  }
0x1c: {  	s30 =	sand.u32 $0x200, s23;
	s19 =	sor.u32 s22, s19;
	[tilespmem:v0+s21+$0xFFFFFFE0 ss:$0x1] =	vst.idx.msk $0xffff, v59  }
0x1d: {  	s17 =	sshll.u32 s17, $0xE;
	s31 =	sshll.u32 s18, $0x4;
	s19 =	sor.u32 s30, s19;
	[tilespmem:v0+s21+$0xFFFFFFF0 ss:$0x1] =	vst.idx.msk $0xffff, v60  }
0x1e: {  	s18 =	sand.u32 $0x30, s31;
	s17 =	sadd.s32 s2, s17;
	s19 =	sshrl.u32 s19, $0x3;
	[tilespmem:v0+s21+$0x0 ss:$0x1] =	vst.idx.msk $0xffff, v61  }
0x1f: {  	s17 =	sadd.s32 s18, s17;
	[tilespmem:v0+s21+$0x10 ss:$0x1] =	vst.idx.msk $0xffff, v62;
	s19 =	sand.u32 $0x3FC0, s19  }
0x20: {  	[tilespmem:v0+s21+$0x20 ss:$0x1] =	vst.idx.msk $0xffff, v63;
	s17 =	sadd.s32 s19, s17  }
0x21: {  	[hbm4b:s17+s11] =	stream.strided.scatter [tilespmem:s20], [sflag:$0x2], $0x4000, s12, s11, $0x38;
	[tilespmem:$0x10000] =	vst v63  }
.LBB1_5:
0x22: {  	s20 =	sadd.s32 $0x4, s14  }
0x23: {  	s17 =	sadd.s32 $0x100, s15;
	s21 =	smov.u32 s15;
	p1 =	sgt.s32 s20, $0x400  }
0x24: {  	s21 =	smov.u32 @p1 s17  }
0x25: {  	s20 =	smov.u32 @p1 s4;
	p1 =	sgt.s32 s21, $0xFF  }
0x26: {  	s21 =	smov.u32 @p1 s3;
	p1 =	sne.s32 s16, s10  }
.Ltmp1:
0x27: {  	p0 =	slt.u32 s16, $0x2;
	(pc) =	sbr.rel @!p1 .LBB1_6-.Ltmp1, $4  }
0x28: {  	s18 =	smov.u32 s15;
	s19 =	simm.s32 @!p0 $0x2  }
0x29: {  	s13 =	sadd.s32 $0x4000, s13;
	_ =	swait.ge @!p0 [sflag:s19], $0x4000;
	s17 =	smov.u32 s14  }
0x2a: {  	[sflag:s19] =	ssyncset.done @!p0 $0x0;
	s14 =	smov.u32 s20;
	s16 =	sadd.s32 $0x1, s16  }
0x2b: {  	[sflag:s19] =	ssyncadd.s32 @!p0 $0xFFFFC000;
	s19 =	smov.u32 s5;
	s15 =	smov.u32 s21  }
.LBB1_1:
0x2c: {  	p0 =	sge.u32 s16, s7  }
0x2d: {  	s20 =	sshll.u32 @!p0 s14, $0x9  }
0x2e: {  	s21 =	sshll.u32 @!p0 s14, $0x7;
	s20 =	sand.u32 @!p0 $0xFFFFF000, s20  }
0x2f: {  	s21 =	sand.u32 @!p0 $0x200, s21;
	s20 =	sor.u32 @!p0 s9, s20  }
0x30: {  	s20 =	sor.u32 @!p0 s21, s20  }
0x31: {  	s20 =	sshrl.u32 @!p0 s20, $0x9  }
0x32: {  	s21 =	smulhi.u32 @!p0 $0x7F01FD, s20;
	_ =	sdelay $0x1  }
0x33: {  	s21 =	sshrl.u32 @!p0 s21, $0x1  }
0x34: {  	s21 =	smul.u32 @!p0 $0x408, s21  }
0x35: {  	s31 =	sadd.s32 $0xFFFFFFFF, s16;
	s22 =	smul.u32 @!p0 $0x10200, s15  }
0x36: {  	s23 =	sxor.u32 @!p0 $0xFFFFFFFF, s16;
	s20 =	ssub.s32 @!p0 s20, s21;
	s21 =	sshll.u32 @!p0 s14, $0x4  }
0x37: {  	s23 =	sshll.u32 @!p0 s23, $0xE;
	s22 =	sadd.s32 @!p0 s8, s22;
	s21 =	sand.u32 @!p0 $0x30, s21  }
0x38: {  	s23 =	sand.u32 @!p0 $0x4000, s23;
	s20 =	sshll.u32 @!p0 s20, $0x6;
	s21 =	sadd.s32 @!p0 s21, s22  }
0x39: {  	s22 =	simm.s32 @!p0 $0x81000;
	s20 =	sadd.s32 @!p0 s20, s21;
	s21 =	simm.s32 @!p0 $0x80  }
0x3a: {  	[tilespmem:s23], [sflag:$0x1] =	stream.strided.gather @!p0 [hbm4b:s20+s21], $0x4000, s22, s21, $0x38;
	[tilespmem:$0x10000] =	vst v63  }
0x3b: {  	p0 =	sge.u32 s31, s7  }
.Ltmp2:
0x3c: {  	_ = 	snop;
	(pc) =	sbr.rel @p0 .LBB1_5-.Ltmp2, $1  }
0x3d: {  	_ =	sdelay $0x3  }
0x3e: {  	s20 =	sand.u32 $0x4000, s13  }
0x3f: {  	s21 =	sor.u32 $0x70, s20  }
0x40: {  	v1 =	vmov s21;
	_ =	sdelay $0x1  }
0x41: {  	_ =	swait.ge [sflag:s6], $0x4000  }
0x42: {  	[sflag:s6] =	ssyncset.done $0x0  }
0x43: {  	s22 =	simm.s32 $0x0;
	[sflag:s6] =	ssyncadd.s32 $0xFFFFC000  }
0x44: {  	s20 =	sor.u32 $0x8040, s20;
	v7 =	vld.idx.msk [tilespmem:v1+s22+$0x0 ss:$0x1], $0xffff  }
0x45: {  	v0 =	vmov s20;
	v8 =	vld.idx.msk [tilespmem:v1+s22+$0xFFFFFF90 ss:$0x1], $0xffff  }
0x46: {  	v6 =	vld.idx.msk [tilespmem:v1+s22+$0xFFFFFFA0 ss:$0x1], $0xffff  }
0x47: {  	v4 =	vld.idx.msk [tilespmem:v1+s22+$0xFFFFFFB0 ss:$0x1], $0xffff  }
0x48: {  	v2 =	vld.idx.msk [tilespmem:v1+s22+$0xFFFFFFC0 ss:$0x1], $0xffff  }
0x49: {  	s31 =	sshll.u32 s16, $0xE;
	v3 =	vld.idx.msk [tilespmem:v1+s22+$0xFFFFFFD0 ss:$0x1], $0xffff  }
0x4a: {  	s20 =	sand.u32 $0x4000, s31;
	v5 =	vld.idx.msk [tilespmem:v1+s22+$0xFFFFFFE0 ss:$0x1], $0xffff;
	[tilespmem:v0+s22+$0x30 ss:$0x1] =	vst.idx.msk $0xffff, v7  }
0x4b: {  	s23 =	simm.s32 $0x400;
	s21 =	simm.s32 $0x80;
	s20 =	sor.u32 $0x8000, s20;
	[tilespmem:v0+s22+$0xFFFFFFC0 ss:$0x1] =	vst.idx.msk $0xffff, v8;
	v7 =	vld.idx.msk [tilespmem:v1+s22+$0xFFFFFFF0 ss:$0x1], $0xffff  }
.LBB1_3:
0x4c: {  	p0 =	sne.s32 s23, $0xFE00;
	v8 =	vld.idx.msk [tilespmem:v1+s21+$0x0 ss:$0x1], $0xffff;
	[tilespmem:v0+s22+$0xFFFFFFD0 ss:$0x1] =	vst.idx.msk $0xffff, v6  }
0x4d: {  	v9 =	vld.idx.msk [tilespmem:v1+s21+$0xFFFFFF90 ss:$0x1], $0xffff;
	[tilespmem:v0+s22+$0xFFFFFFE0 ss:$0x1] =	vst.idx.msk $0xffff, v4  }
0x4e: {  	v6 =	vld.idx.msk [tilespmem:v1+s21+$0xFFFFFFA0 ss:$0x1], $0xffff;
	[tilespmem:v0+s22+$0xFFFFFFF0 ss:$0x1] =	vst.idx.msk $0xffff, v2  }
.Ltmp3:
0x4f: {  	v4 =	vld.idx.msk [tilespmem:v1+s21+$0xFFFFFFB0 ss:$0x1], $0xffff;
	[tilespmem:v0+s22+$0x0 ss:$0x1] =	vst.idx.msk $0xffff, v3;
	(pc) =	sbr.rel @p0 .LBB1_3-.Ltmp3, $4  }
0x50: {  	v2 =	vld.idx.msk [tilespmem:v1+s21+$0xFFFFFFC0 ss:$0x1], $0xffff;
	[tilespmem:v0+s22+$0x10 ss:$0x1] =	vst.idx.msk $0xffff, v5  }
0x51: {  	v3 =	vld.idx.msk [tilespmem:v1+s21+$0xFFFFFFD0 ss:$0x1], $0xffff;
	[tilespmem:v0+s22+$0x20 ss:$0x1] =	vst.idx.msk $0xffff, v7;
	s22 =	smov.u32 s21  }
0x52: {  	v5 =	vld.idx.msk [tilespmem:v1+s22+$0xFFFFFFE0 ss:$0x1], $0xffff;
	[tilespmem:v0+s22+$0x30 ss:$0x1] =	vst.idx.msk $0xffff, v8  }
0x53: {  	s21 =	sshra.s32 s23, $0x2;
	s23 =	sadd.s32 $0x200, s23;
	[tilespmem:v0+s22+$0xFFFFFFC0 ss:$0x1] =	vst.idx.msk $0xffff, v9;
	v7 =	vld.idx.msk [tilespmem:v1+s22+$0xFFFFFFF0 ss:$0x1], $0xffff  }
.Ltmp4:
0x54: {  	_ = 	snop;
	(pc) =	sbr.rel .LBB1_4-.Ltmp4, $1  }
0x55: {  	_ =	sdelay $0x3  }
.LBB1_6:
0x56: {  	_ =	sfence.sel $0x180000  }
0x57: {  	s2 =	simm.s32 $0x1;
	[bflag:$0x0] =	sbarrier.arrive $0xFFFF  }
0x58: {  	s31 =	simm.s32 $0x2;
	[sflag:s2] =	ssyncpa.u1 $0x1  }
0x59: {  	[sflag:s31] =	ssyncpa.u1 $0x1  }
0x5a: {  	p0 =	sne.s32 s0, $0x0;
	_ =	strace $0x9000004A  }
0x5b: {  	s0 =	sadd.s32 @!p0 $0x100000, s1;
	[bflag:$0x2] =	sbarrier.arrive $0xFFFF  }
0x5c: {  	[sflag:s0] =	ssyncadd.tile.s32 @!p0 $0x1;
	_ =	shalt  }
.Lfunc_end1:
_tile_overlayer_lowered:
.L_overlay_start_2:
0x5d: {  	(tag) =	ssettag $0x2  }
0x5e: {  	s0 =	rddreg [dreg:$0x0];
	s2 =	stileid.u32  }
0x5f: {  	s1 =	rddreg [dreg:$0x1];
	p0 =	sne.s32 s2, $0x0  }
0x60: {  	s3 =	rddreg [dreg:$0x2];
	[bflag:$0x3] =	sbarrier.arrive $0xFFFF;
	s2 =	simm.s32 @!p0 $0x1C01  }
0x61: {  	[timem:s3], [sflag:s2] =	dma.local @!p0 [hbm:s0], s1  }
0x62: {  	s0 =	simm.s32 @!p0 $0x1  }
0x63: {  	_ =	swait.ge @!p0 [sflag:s0], s1  }
0x64: {  	s1 =	ssub.s32 @!p0 $0x0, s1;
	[sflag:s0] =	ssyncset.done @!p0 $0x0  }
0x65: {  	[sflag:s0] =	ssyncadd.s32 @!p0 s1  }
0x66: {  	[bflag:$0x3] =	sbarrier.arrive $0xFFFF  }
0x67: {  	_ =	shalt  }

</sc_bundles>
